<compile_context>
chip_gen: v7x
topology: tpu7x:2x2x1
jax: 0.10.2.dev20260603
libtpu: 0.0.44.dev20260713+nightly
codegen_flags: <defaults>
</compile_context>

<pallas_src>
import functools

import jax
import jax.numpy as jnp
from jax import lax
from jax.experimental import pallas as pl
from jax.experimental.pallas import tpu as pltpu
from jax.experimental.pallas import tpu_sc as plsc

B = 64
N = 4096
F = 128
H = 1024
K = 256


def _mean_body(x_ref, o_ref):
    v = x_ref[...]
    t = jnp.swapaxes(v, 1, 2)
    o_ref[...] = jnp.sum(t, axis=1) * (1.0 / F)


def _pooled(x):
    return pl.pallas_call(
        _mean_body,
        grid=(8, 8),
        in_specs=[pl.BlockSpec((8, N // 8, F), lambda i, j: (i, j, 0))],
        out_specs=pl.BlockSpec((8, N // 8), lambda i, j: (i, j)),
        out_shape=jax.ShapeDtypeStruct((B, N), jnp.float32),
    )(x)


def _score_body(p_ref, w1_ref, b1_ref, w2_ref, b2_ref, s_ref):
    h = lax.dot_general(p_ref[...], w1_ref[...], (((1,), (1,)), ((), ())),
                        preferred_element_type=jnp.float32)
    h = jnp.maximum(h + b1_ref[...], 0.0)
    z = lax.dot_general(h, w2_ref[...], (((1,), (1,)), ((), ())),
                        preferred_element_type=jnp.float32)
    s_ref[...] = jax.nn.sigmoid(z + b2_ref[...])


def _scores(pooled, W1, b1, W2, b2):
    return pl.pallas_call(
        _score_body,
        in_specs=[
            pl.BlockSpec((B, N), lambda: (0, 0)),
            pl.BlockSpec((H, N), lambda: (0, 0)),
            pl.BlockSpec((1, H), lambda: (0, 0)),
            pl.BlockSpec((N, H), lambda: (0, 0)),
            pl.BlockSpec((1, N), lambda: (0, 0)),
        ],
        out_specs=pl.BlockSpec((B, N), lambda: (0, 0)),
        out_shape=jax.ShapeDtypeStruct((B, N), jnp.float32),
    )(pooled, W1, b1.reshape(1, H), W2, b2.reshape(1, N))


_C = 32
_L = 128


def _sort_schedule():
    rows = []
    k = 2
    while k <= N:
        j = k // 2
        while j >= 1:
            a = j if j < _C else 0
            m = j // _C if j >= _C else 0
            rows.append((a, m, j, k))
            j //= 2
        k *= 2
    import numpy as _np
    return _np.asarray(rows, dtype=_np.int32).reshape(-1)


_SCHED = _sort_schedule()
_NSTAGES = _SCHED.size // 4


def _topk_body(sched_ref, s_ref, o_ref):
    c_iota = lax.broadcasted_iota(jnp.int32, (B, _C, _L), 1)
    l_iota = lax.broadcasted_iota(jnp.int32, (B, _C, _L), 2)
    idx0 = c_iota * _L + l_iota
    p = l_iota * _C + c_iota

    def make_stage(axis):
        iota = c_iota if axis == 1 else l_iota
        size = _C if axis == 1 else _L
        col = 0 if axis == 1 else 1

        def stage(t, carry):
            s, idx = carry
            sh = sched_ref[t * 4 + col]
            k = sched_ref[t * 4 + 3]
            upper = (iota & sh) != 0
            ush = size - sh

            def partner(v):
                return jnp.where(upper, pltpu.roll(v, sh, axis),
                                 pltpu.roll(v, ush, axis))

            ps = partner(s)
            pi = partner(idx)
            desc = (p & k) == 0
            first_self = (s > ps) | ((s == ps) & (idx < pi))
            take_self = ~(first_self ^ (desc ^ upper))
            return (jnp.where(take_self, s, ps), jnp.where(take_self, idx, pi))

        return stage

    lane_stage = make_stage(2)
    sub_stage = make_stage(1)

    carry = (s_ref[...], idx0)
    t = 0
    k = 2
    while k <= N:
        js = []
        j = k // 2
        while j >= 1:
            js.append(j)
            j //= 2
        if k == N:
            n_full = sum(1 for j in js if j >= K)
            carry = lax.fori_loop(t, t + n_full, lane_stage, carry)
            t += n_full
            break
        n_lane = sum(1 for j in js if j >= _C)
        if n_lane:
            carry = lax.fori_loop(t, t + n_lane, lane_stage, carry)
            t += n_lane
        carry = lax.fori_loop(t, t + len(js) - n_lane, sub_stage, carry)
        t += len(js) - n_lane
        k *= 2

    s8, i8 = carry[0][:, :, : K // _C], carry[1][:, :, : K // _C]
    c8 = c_iota[:, :, : K // _C]
    l8 = l_iota[:, :, : K // _C]
    j = K // 2
    while j >= 1:
        if j >= _C:
            m = j // _C
            upper = (l8 & m) != 0
            roll_a, sz = 2, K // _C
        else:
            m = j
            upper = (c8 & m) != 0
            roll_a, sz = 1, _C
        ps = jnp.where(upper, pltpu.roll(s8, m, roll_a),
                       pltpu.roll(s8, sz - m, roll_a))
        pi = jnp.where(upper, pltpu.roll(i8, m, roll_a),
                       pltpu.roll(i8, sz - m, roll_a))
        first_self = (s8 > ps) | ((s8 == ps) & (i8 < pi))
        take_self = first_self ^ upper
        s8 = jnp.where(take_self, s8, ps)
        i8 = jnp.where(take_self, i8, pi)
        j //= 2

    o_ref[...] = jnp.swapaxes(i8, 1, 2).reshape(B, K) + \
        lax.broadcasted_iota(jnp.int32, (B, K), 0) * N


def _topk_idx(scores):
    return pl.pallas_call(
        _topk_body,
        grid_spec=pltpu.PrefetchScalarGridSpec(
            num_scalar_prefetch=1,
            grid=(1,),
            in_specs=[pl.BlockSpec((B, _C, _L), lambda i, s: (0, 0, 0))],
            out_specs=pl.BlockSpec((B, K), lambda i, s: (0, 0)),
        ),
        out_shape=jax.ShapeDtypeStruct((B, K), jnp.int32),
    )(jnp.asarray(_SCHED), scores.reshape(B, _C, _L))


try:
    _INFO = plsc.get_sparse_core_info()
    _NUM_CORES, _NUM_SUBCORES = _INFO.num_cores, _INFO.num_subcores
except Exception:
    _NUM_CORES, _NUM_SUBCORES = 2, 16
_NW = _NUM_CORES * _NUM_SUBCORES
_ROWS_PER_W = (B * K) // _NW
_CHUNK = 128


def _gather_kernel(x_hbm, idx_hbm, out_hbm, idx_v, rows_v, sem):
    wid = lax.axis_index("s") * _NUM_CORES + lax.axis_index("c")
    base = wid * _ROWS_PER_W
    pltpu.sync_copy(idx_hbm.at[pl.ds(base, _ROWS_PER_W)], idx_v)
    for c in range(_ROWS_PER_W // _CHUNK):
        pltpu.async_copy(
            x_hbm.at[idx_v.at[pl.ds(c * _CHUNK, _CHUNK)]],
            rows_v.at[pl.ds(c * _CHUNK, _CHUNK)],
            sem,
        ).wait()
    pltpu.sync_copy(rows_v, out_hbm.at[pl.ds(base, _ROWS_PER_W)])


@functools.lru_cache(maxsize=1)
def _get_sc_gather():
    return functools.partial(
        pl.kernel,
        mesh=plsc.VectorSubcoreMesh(core_axis_name="c", subcore_axis_name="s"),
        out_type=jax.ShapeDtypeStruct((B * K, F), jnp.float32),
        scratch_types=[
            pltpu.VMEM((_ROWS_PER_W,), jnp.int32),
            pltpu.VMEM((_ROWS_PER_W, F), jnp.float32),
            pltpu.SemaphoreType.DMA,
        ],
    )(_gather_kernel)


def kernel(x, W1, b1, W2, b2):
    pooled = _pooled(x)
    scores = _scores(pooled, W1, b1, W2, b2)
    flat_idx = _topk_idx(scores).reshape(B * K)
    out = _get_sc_gather()(x.reshape(B * N, F), flat_idx)
    return out.reshape(B, K, F)

# --- scband reference (transcript-rebuilt; emitter-appended) ---
"""Pipeline reference for scband-channel-attention1-d-82197084111350 (READ-ONLY COPY).

The authoritative reference and input builder live on the scoring server;
editing this copy changes nothing except your own understanding.
"""

import jax, jax.numpy as jnp
import numpy as np

BATCH = 64
NUM_FRAMES = 4096
FRAME_FEATURES = 128
REDUCTION = 4
HIDDEN = NUM_FRAMES // REDUCTION
KEEP_FRAMES = 256


def setup_inputs(seed: int = 0) -> dict:
    key = jax.random.key(seed)
    k1, k2, k3 = jax.random.split(key, 3)
    x = jax.random.normal(k1, (BATCH, NUM_FRAMES, FRAME_FEATURES), dtype=jnp.float32)
    # Conv1d(num_frames, hidden, kernel_size=1) == dense over channel dim
    W1 = jax.random.normal(k2, (HIDDEN, NUM_FRAMES), dtype=jnp.float32) * 0.02
    b1 = jnp.zeros((HIDDEN,), dtype=jnp.float32)
    W2 = jax.random.normal(k3, (NUM_FRAMES, HIDDEN), dtype=jnp.float32) * 0.02
    b2 = jnp.zeros((NUM_FRAMES,), dtype=jnp.float32)
    return {"x": x, "W1": W1, "b1": b1, "W2": W2, "b2": b2}


def reference(x, W1, b1, W2, b2):
    # AdaptiveAvgPool1d(1): mean over the feature (length) axis -> [B, C]
    pooled = jnp.mean(x, axis=2)
    # Conv1d k=1 -> matmul over channels, ReLU
    h = jax.nn.relu(pooled @ W1.T + b1)
    # Conv1d k=1 back up, Sigmoid -> attention weights [B, C] (weights.mean(dim=2) of [B,C,1] is identical)
    scores = jax.nn.sigmoid(h @ W2.T + b2)
    # topk over frame axis
    _, idx = jax.lax.top_k(scores, KEEP_FRAMES)
    # gather: torch.gather(x, 1, indices.unsqueeze(2).expand(-1,-1,F))
    selected = jnp.take_along_axis(x, idx[:, :, None], axis=1)
    return selected

if __name__ == "__main__":
    import jax
    _d = setup_inputs()
    print(jax.jit(kernel)(*tuple(_d.values())))

</pallas_src>

<mosaic_0001>
#map = affine_map<(d0, d1) -> (0, 0)>
#map1 = affine_map<(d0, d1) -> (0)>
module attributes {stable_mosaic.version = 14 : i64} {
  func.func @_gather_kernel(%arg0: i32, %arg1: i32, %arg2: memref<262144x128xf32, #tpu.memory_space<hbm>>, %arg3: memref<16384xi32, #tpu.memory_space<hbm>>, %arg4: memref<16384x128xf32, #tpu.memory_space<hbm>>, %arg5: memref<512xi32, #tpu.memory_space<vmem>>, %arg6: memref<512x128xf32, #tpu.memory_space<vmem>>, %arg7: memref<!tpu.dma_semaphore, #tpu.memory_space<semaphore_mem>>) attributes {dimension_semantics = [#tpu.dimension_semantics<core_parallel>, #tpu.dimension_semantics<subcore_parallel>], iteration_bounds = array<i64: 2, 16>, scalar_prefetch = 0 : i64, scratch_operands = 3 : i64, tpu.core_type = #tpu.core_type<sc_vector_subcore>, window_params = [{transform_indices = #map}, {transform_indices = #map1}, {transform_indices = #map}]} {
    %mul3A = arith.constant 2 : i32
    %mul3A_0 = arith.muli %arg1, %mul3A : i32
    %add3A = arith.addi %mul3A_0, %arg0 : i32
    %mul3A_1 = arith.constant 512 : i32
    %mul3A_2 = arith.muli %add3A, %mul3A_1 : i32
    "tpu.region"() ({
      %run_scoped3A = tpu.sem_alloc : memref<!tpu.dma_semaphore, #tpu.memory_space<semaphore_mem>>
      %dma_start3A_65 = tpu.memref_slice %arg3[%mul3A_2] : memref<16384xi32, #tpu.memory_space<hbm>> -> memref<512xi32, #tpu.memory_space<hbm>>
      %dma_start3A_66 = tpu.memref_slice %arg3[%mul3A_2] : memref<16384xi32, #tpu.memory_space<hbm>> -> memref<512xi32, #tpu.memory_space<hbm>>
      tpu.enqueue_dma source(%dma_start3A_66 : memref<512xi32, #tpu.memory_space<hbm>>) target(%arg5 : memref<512xi32, #tpu.memory_space<vmem>>) target_semaphore(%run_scoped3A : memref<!tpu.dma_semaphore, #tpu.memory_space<semaphore_mem>>)
      %dma_wait3A_67 = tpu.memref_slice %arg3[%mul3A_2] : memref<16384xi32, #tpu.memory_space<hbm>> -> memref<512xi32, #tpu.memory_space<hbm>>
      %dma_wait3A_68 = tpu.memref_slice %arg3[%mul3A_2] : memref<16384xi32, #tpu.memory_space<hbm>> -> memref<512xi32, #tpu.memory_space<hbm>>
      tpu.wait_dma2 semaphore(%run_scoped3A : memref<!tpu.dma_semaphore, #tpu.memory_space<semaphore_mem>>) src(%dma_wait3A_68 : memref<512xi32, #tpu.memory_space<hbm>>) dst(%arg5 : memref<512xi32, #tpu.memory_space<vmem>>)
      tpu.yield
    }) : () -> ()
    %dma_start3A = arith.constant 0 : i32
    %dma_start3A_3 = arith.constant 0 : i32
    %dma_start3A_4 = tpu.memref_slice %arg6[%dma_start3A, %dma_start3A_3] : memref<512x128xf32, #tpu.memory_space<vmem>> -> memref<128x128xf32, #tpu.memory_space<vmem>>
    %dma_start3A_5 = arith.constant 0 : i32
    %dma_start3A_6 = tpu.memref_slice %arg5[%dma_start3A_5] : memref<512xi32, #tpu.memory_space<vmem>> -> memref<128xi32, #tpu.memory_space<vmem>>
    %dma_start3A_7 = arith.constant 0 : i32
    %dma_start3A_8 = arith.constant 0 : i32
    %dma_start3A_9 = tpu.memref_slice %arg2[%dma_start3A_7, %dma_start3A_8] : memref<262144x128xf32, #tpu.memory_space<hbm>> -> memref<262144x128xf32, #tpu.memory_space<hbm>>
    tpu.enqueue_indirect_dma source(%dma_start3A_9 : memref<262144x128xf32, #tpu.memory_space<hbm>>) target(%dma_start3A_4 : memref<128x128xf32, #tpu.memory_space<vmem>>) offsets(%dma_start3A_6 : memref<128xi32, #tpu.memory_space<vmem>>) semaphore(%arg7 : memref<!tpu.dma_semaphore, #tpu.memory_space<semaphore_mem>>)
    %dma_wait3A = arith.constant 0 : i32
    %dma_wait3A_10 = arith.constant 0 : i32
    %dma_wait3A_11 = tpu.memref_slice %arg6[%dma_wait3A, %dma_wait3A_10] : memref<512x128xf32, #tpu.memory_space<vmem>> -> memref<128x128xf32, #tpu.memory_space<vmem>>
    %dma_wait3A_12 = arith.constant 0 : i32
    %dma_wait3A_13 = tpu.memref_slice %arg5[%dma_wait3A_12] : memref<512xi32, #tpu.memory_space<vmem>> -> memref<128xi32, #tpu.memory_space<vmem>>
    %dma_wait3A_14 = arith.constant 0 : i32
    %dma_wait3A_15 = arith.constant 0 : i32
    %dma_wait3A_16 = tpu.memref_slice %arg2[%dma_wait3A_14, %dma_wait3A_15] : memref<262144x128xf32, #tpu.memory_space<hbm>> -> memref<262144x128xf32, #tpu.memory_space<hbm>>
    tpu.wait_indirect_dma semaphore(%arg7 : memref<!tpu.dma_semaphore, #tpu.memory_space<semaphore_mem>>) src(%dma_wait3A_16 : memref<262144x128xf32, #tpu.memory_space<hbm>>) dst(%dma_wait3A_11 : memref<128x128xf32, #tpu.memory_space<vmem>>)
    %dma_start3A_17 = arith.constant 128 : i32
    %dma_start3A_18 = arith.constant 0 : i32
    %dma_start3A_19 = tpu.memref_slice %arg6[%dma_start3A_17, %dma_start3A_18] : memref<512x128xf32, #tpu.memory_space<vmem>> -> memref<128x128xf32, #tpu.memory_space<vmem>>
    %dma_start3A_20 = arith.constant 128 : i32
    %dma_start3A_21 = tpu.memref_slice %arg5[%dma_start3A_20] : memref<512xi32, #tpu.memory_space<vmem>> -> memref<128xi32, #tpu.memory_space<vmem>>
    %dma_start3A_22 = arith.constant 0 : i32
    %dma_start3A_23 = arith.constant 0 : i32
    %dma_start3A_24 = tpu.memref_slice %arg2[%dma_start3A_22, %dma_start3A_23] : memref<262144x128xf32, #tpu.memory_space<hbm>> -> memref<262144x128xf32, #tpu.memory_space<hbm>>
    tpu.enqueue_indirect_dma source(%dma_start3A_24 : memref<262144x128xf32, #tpu.memory_space<hbm>>) target(%dma_start3A_19 : memref<128x128xf32, #tpu.memory_space<vmem>>) offsets(%dma_start3A_21 : memref<128xi32, #tpu.memory_space<vmem>>) semaphore(%arg7 : memref<!tpu.dma_semaphore, #tpu.memory_space<semaphore_mem>>)
    %dma_wait3A_25 = arith.constant 128 : i32
    %dma_wait3A_26 = arith.constant 0 : i32
    %dma_wait3A_27 = tpu.memref_slice %arg6[%dma_wait3A_25, %dma_wait3A_26] : memref<512x128xf32, #tpu.memory_space<vmem>> -> memref<128x128xf32, #tpu.memory_space<vmem>>
    %dma_wait3A_28 = arith.constant 128 : i32
    %dma_wait3A_29 = tpu.memref_slice %arg5[%dma_wait3A_28] : memref<512xi32, #tpu.memory_space<vmem>> -> memref<128xi32, #tpu.memory_space<vmem>>
    %dma_wait3A_30 = arith.constant 0 : i32
    %dma_wait3A_31 = arith.constant 0 : i32
    %dma_wait3A_32 = tpu.memref_slice %arg2[%dma_wait3A_30, %dma_wait3A_31] : memref<262144x128xf32, #tpu.memory_space<hbm>> -> memref<262144x128xf32, #tpu.memory_space<hbm>>
    tpu.wait_indirect_dma semaphore(%arg7 : memref<!tpu.dma_semaphore, #tpu.memory_space<semaphore_mem>>) src(%dma_wait3A_32 : memref<262144x128xf32, #tpu.memory_space<hbm>>) dst(%dma_wait3A_27 : memref<128x128xf32, #tpu.memory_space<vmem>>)
    %dma_start3A_33 = arith.constant 256 : i32
    %dma_start3A_34 = arith.constant 0 : i32
    %dma_start3A_35 = tpu.memref_slice %arg6[%dma_start3A_33, %dma_start3A_34] : memref<512x128xf32, #tpu.memory_space<vmem>> -> memref<128x128xf32, #tpu.memory_space<vmem>>
    %dma_start3A_36 = arith.constant 256 : i32
    %dma_start3A_37 = tpu.memref_slice %arg5[%dma_start3A_36] : memref<512xi32, #tpu.memory_space<vmem>> -> memref<128xi32, #tpu.memory_space<vmem>>
    %dma_start3A_38 = arith.constant 0 : i32
    %dma_start3A_39 = arith.constant 0 : i32
    %dma_start3A_40 = tpu.memref_slice %arg2[%dma_start3A_38, %dma_start3A_39] : memref<262144x128xf32, #tpu.memory_space<hbm>> -> memref<262144x128xf32, #tpu.memory_space<hbm>>
    tpu.enqueue_indirect_dma source(%dma_start3A_40 : memref<262144x128xf32, #tpu.memory_space<hbm>>) target(%dma_start3A_35 : memref<128x128xf32, #tpu.memory_space<vmem>>) offsets(%dma_start3A_37 : memref<128xi32, #tpu.memory_space<vmem>>) semaphore(%arg7 : memref<!tpu.dma_semaphore, #tpu.memory_space<semaphore_mem>>)
    %dma_wait3A_41 = arith.constant 256 : i32
    %dma_wait3A_42 = arith.constant 0 : i32
    %dma_wait3A_43 = tpu.memref_slice %arg6[%dma_wait3A_41, %dma_wait3A_42] : memref<512x128xf32, #tpu.memory_space<vmem>> -> memref<128x128xf32, #tpu.memory_space<vmem>>
    %dma_wait3A_44 = arith.constant 256 : i32
    %dma_wait3A_45 = tpu.memref_slice %arg5[%dma_wait3A_44] : memref<512xi32, #tpu.memory_space<vmem>> -> memref<128xi32, #tpu.memory_space<vmem>>
    %dma_wait3A_46 = arith.constant 0 : i32
    %dma_wait3A_47 = arith.constant 0 : i32
    %dma_wait3A_48 = tpu.memref_slice %arg2[%dma_wait3A_46, %dma_wait3A_47] : memref<262144x128xf32, #tpu.memory_space<hbm>> -> memref<262144x128xf32, #tpu.memory_space<hbm>>
    tpu.wait_indirect_dma semaphore(%arg7 : memref<!tpu.dma_semaphore, #tpu.memory_space<semaphore_mem>>) src(%dma_wait3A_48 : memref<262144x128xf32, #tpu.memory_space<hbm>>) dst(%dma_wait3A_43 : memref<128x128xf32, #tpu.memory_space<vmem>>)
    %dma_start3A_49 = arith.constant 384 : i32
    %dma_start3A_50 = arith.constant 0 : i32
    %dma_start3A_51 = tpu.memref_slice %arg6[%dma_start3A_49, %dma_start3A_50] : memref<512x128xf32, #tpu.memory_space<vmem>> -> memref<128x128xf32, #tpu.memory_space<vmem>>
    %dma_start3A_52 = arith.constant 384 : i32
    %dma_start3A_53 = tpu.memref_slice %arg5[%dma_start3A_52] : memref<512xi32, #tpu.memory_space<vmem>> -> memref<128xi32, #tpu.memory_space<vmem>>
    %dma_start3A_54 = arith.constant 0 : i32
    %dma_start3A_55 = arith.constant 0 : i32
    %dma_start3A_56 = tpu.memref_slice %arg2[%dma_start3A_54, %dma_start3A_55] : memref<262144x128xf32, #tpu.memory_space<hbm>> -> memref<262144x128xf32, #tpu.memory_space<hbm>>
    tpu.enqueue_indirect_dma source(%dma_start3A_56 : memref<262144x128xf32, #tpu.memory_space<hbm>>) target(%dma_start3A_51 : memref<128x128xf32, #tpu.memory_space<vmem>>) offsets(%dma_start3A_53 : memref<128xi32, #tpu.memory_space<vmem>>) semaphore(%arg7 : memref<!tpu.dma_semaphore, #tpu.memory_space<semaphore_mem>>)
    %dma_wait3A_57 = arith.constant 384 : i32
    %dma_wait3A_58 = arith.constant 0 : i32
    %dma_wait3A_59 = tpu.memref_slice %arg6[%dma_wait3A_57, %dma_wait3A_58] : memref<512x128xf32, #tpu.memory_space<vmem>> -> memref<128x128xf32, #tpu.memory_space<vmem>>
    %dma_wait3A_60 = arith.constant 384 : i32
    %dma_wait3A_61 = tpu.memref_slice %arg5[%dma_wait3A_60] : memref<512xi32, #tpu.memory_space<vmem>> -> memref<128xi32, #tpu.memory_space<vmem>>
    %dma_wait3A_62 = arith.constant 0 : i32
    %dma_wait3A_63 = arith.constant 0 : i32
    %dma_wait3A_64 = tpu.memref_slice %arg2[%dma_wait3A_62, %dma_wait3A_63] : memref<262144x128xf32, #tpu.memory_space<hbm>> -> memref<262144x128xf32, #tpu.memory_space<hbm>>
    tpu.wait_indirect_dma semaphore(%arg7 : memref<!tpu.dma_semaphore, #tpu.memory_space<semaphore_mem>>) src(%dma_wait3A_64 : memref<262144x128xf32, #tpu.memory_space<hbm>>) dst(%dma_wait3A_59 : memref<128x128xf32, #tpu.memory_space<vmem>>)
    "tpu.region"() ({
      %run_scoped3A = tpu.sem_alloc : memref<!tpu.dma_semaphore, #tpu.memory_space<semaphore_mem>>
      %dma_start3A_65 = arith.constant 0 : i32
      %dma_start3A_66 = tpu.memref_slice %arg4[%mul3A_2, %dma_start3A_65] : memref<16384x128xf32, #tpu.memory_space<hbm>> -> memref<512x128xf32, #tpu.memory_space<hbm>>
      %dma_start3A_67 = arith.constant 0 : i32
      %dma_start3A_68 = tpu.memref_slice %arg4[%mul3A_2, %dma_start3A_67] : memref<16384x128xf32, #tpu.memory_space<hbm>> -> memref<512x128xf32, #tpu.memory_space<hbm>>
      tpu.enqueue_dma source(%arg6 : memref<512x128xf32, #tpu.memory_space<vmem>>) target(%dma_start3A_68 : memref<512x128xf32, #tpu.memory_space<hbm>>) target_semaphore(%run_scoped3A : memref<!tpu.dma_semaphore, #tpu.memory_space<semaphore_mem>>)
      %dma_wait3A_69 = arith.constant 0 : i32
      %dma_wait3A_70 = tpu.memref_slice %arg4[%mul3A_2, %dma_wait3A_69] : memref<16384x128xf32, #tpu.memory_space<hbm>> -> memref<512x128xf32, #tpu.memory_space<hbm>>
      %dma_wait3A_71 = arith.constant 0 : i32
      %dma_wait3A_72 = tpu.memref_slice %arg4[%mul3A_2, %dma_wait3A_71] : memref<16384x128xf32, #tpu.memory_space<hbm>> -> memref<512x128xf32, #tpu.memory_space<hbm>>
      tpu.wait_dma2 semaphore(%run_scoped3A : memref<!tpu.dma_semaphore, #tpu.memory_space<semaphore_mem>>) src(%arg6 : memref<512x128xf32, #tpu.memory_space<vmem>>) dst(%dma_wait3A_72 : memref<512x128xf32, #tpu.memory_space<hbm>>)
      tpu.yield
    }) : () -> ()
    return
  }
}

module attributes {stable_mosaic.version = 14 : i64} {
  func.func @_mean_body(%arg0: i32, %arg1: i32, %arg2: memref<8x512x128xf32, #tpu.memory_space<vmem>>, %arg3: memref<8x512xf32, #tpu.memory_space<vmem>>) attributes {dimension_semantics = [#tpu.dimension_semantics<arbitrary>, #tpu.dimension_semantics<arbitrary>], iteration_bounds = array<i64: 8, 8>, scalar_prefetch = 0 : i64, scratch_operands = 0 : i64, tpu.core_type = #tpu.core_type<tc>, window_params = [{transform_indices = @transform_0, window_bounds = array<i64: 8, 512, 128>}, {transform_indices = @transform_1, window_bounds = array<i64: 8, 512>}]} {
    %get3A = arith.constant 0 : index
    %get3A_0 = arith.constant 0 : index
    %get3A_1 = arith.constant 0 : index
    %get3A_2 = vector.load %arg2[%get3A, %get3A_0, %get3A_1] : memref<8x512x128xf32, #tpu.memory_space<vmem>>, vector<8x512x128xf32>
    %transpose3A = tpu.transpose %get3A_2, [0, 2, 1] : vector<8x512x128xf32> -> vector<8x128x512xf32>
    %reduce_sum3A = arith.constant dense<0.000000e+00> : vector<8x512xf32>
    %reduce_sum3A_3 = vector.multi_reduction <add>, %transpose3A, %reduce_sum3A [1] : vector<8x128x512xf32> to vector<8x512xf32>
    %mul3A = arith.constant 7.812500e-03 : f32
    %mul3A_4 = vector.broadcast %mul3A : f32 to vector<8x512xf32>
    %mul3A_5 = arith.mulf %reduce_sum3A_3, %mul3A_4 : vector<8x512xf32>
    %swap3A = arith.constant 0 : index
    %swap3A_6 = arith.constant 0 : index
    %swap3A_7 = vector.load %arg3[%swap3A, %swap3A_6] : memref<8x512xf32, #tpu.memory_space<vmem>>, vector<8x512xf32>
    tpu.vector_store %arg3[%swap3A, %swap3A_6], %mul3A_5 {strides = array<i32>} : memref<8x512xf32, #tpu.memory_space<vmem>>, vector<8x512xf32>,
    return
  }
  func.func @transform_0(%arg0: i32, %arg1: i32) -> (i32, i32, i32) {
    %c0_i32 = arith.constant 0 : i32
    %c0_i32_0 = arith.constant 0 : i32
    return %arg0, %arg1, %c0_i32 : i32, i32, i32
  }
  func.func @transform_1(%arg0: i32, %arg1: i32) -> (i32, i32) {
    %c0_i32 = arith.constant 0 : i32
    return %arg0, %arg1 : i32, i32
  }
}

module attributes {stable_mosaic.version = 14 : i64} {
  func.func @_score_body(%arg0: memref<64x4096xf32, #tpu.memory_space<vmem>>, %arg1: memref<1024x4096xf32, #tpu.memory_space<vmem>>, %arg2: memref<1x1024xf32, #tpu.memory_space<vmem>>, %arg3: memref<4096x1024xf32, #tpu.memory_space<vmem>>, %arg4: memref<1x4096xf32, #tpu.memory_space<vmem>>, %arg5: memref<64x4096xf32, #tpu.memory_space<vmem>>) attributes {dimension_semantics = [], scalar_prefetch = 0 : i64, scratch_operands = 0 : i64, tpu.core_type = #tpu.core_type<tc>} {
    %get3A = arith.constant 0 : index
    %get3A_0 = arith.constant 0 : index
    %get3A_1 = vector.load %arg0[%get3A, %get3A_0] : memref<64x4096xf32, #tpu.memory_space<vmem>>, vector<64x4096xf32>
    %get3A_2 = arith.constant 0 : index
    %get3A_3 = arith.constant 0 : index
    %get3A_4 = vector.load %arg1[%get3A_2, %get3A_3] : memref<1024x4096xf32, #tpu.memory_space<vmem>>, vector<1024x4096xf32>
    %dot_general3A = arith.constant dense<0.000000e+00> : vector<64x1024xf32>
    %dot_general3A_5 = tpu.matmul %get3A_1, %get3A_4, %dot_general3A {dimension_numbers = #tpu.dot_dimension_numbers<[1], [1], [0], [0], [0, 0, 1, 0], [], []>, transpose_lhs_hint = false} : vector<64x4096xf32>, vector<1024x4096xf32>, vector<64x1024xf32> -> vector<64x1024xf32>
    %get3A_6 = arith.constant 0 : index
    %get3A_7 = arith.constant 0 : index
    %get3A_8 = vector.load %arg2[%get3A_6, %get3A_7] : memref<1x1024xf32, #tpu.memory_space<vmem>>, vector<1x1024xf32>
    %add3A = vector.broadcast %get3A_8 : vector<1x1024xf32> to vector<64x1024xf32>
    %add3A_9 = arith.addf %dot_general3A_5, %add3A : vector<64x1024xf32>
    %max3A = arith.constant 0.000000e+00 : f32
    %max3A_10 = vector.broadcast %max3A : f32 to vector<64x1024xf32>
    %max3A_11 = arith.maximumf %add3A_9, %max3A_10 : vector<64x1024xf32>
    %get3A_12 = arith.constant 0 : index
    %get3A_13 = arith.constant 0 : index
    %get3A_14 = vector.load %arg3[%get3A_12, %get3A_13] : memref<4096x1024xf32, #tpu.memory_space<vmem>>, vector<4096x1024xf32>
    %dot_general3A_15 = arith.constant dense<0.000000e+00> : vector<64x4096xf32>
    %dot_general3A_16 = tpu.matmul %max3A_11, %get3A_14, %dot_general3A_15 {dimension_numbers = #tpu.dot_dimension_numbers<[1], [1], [0], [0], [0, 0, 1, 0], [], []>, transpose_lhs_hint = false} : vector<64x1024xf32>, vector<4096x1024xf32>, vector<64x4096xf32> -> vector<64x4096xf32>
    %get3A_17 = arith.constant 0 : index
    %get3A_18 = arith.constant 0 : index
    %get3A_19 = vector.load %arg4[%get3A_17, %get3A_18] : memref<1x4096xf32, #tpu.memory_space<vmem>>, vector<1x4096xf32>
    %add3A_20 = vector.broadcast %get3A_19 : vector<1x4096xf32> to vector<64x4096xf32>
    %add3A_21 = arith.addf %dot_general3A_16, %add3A_20 : vector<64x4096xf32>
    %logistic3A = arith.negf %add3A_21 : vector<64x4096xf32>
    %logistic3A_22 = math.exp %logistic3A : vector<64x4096xf32>
    %logistic3A_23 = arith.constant 1.000000e+00 : f32
    %logistic3A_24 = vector.broadcast %logistic3A_23 : f32 to vector<64x4096xf32>
    %logistic3A_25 = arith.addf %logistic3A_24, %logistic3A_22 : vector<64x4096xf32>
    %logistic3A_26 = arith.divf %logistic3A_24, %logistic3A_25 : vector<64x4096xf32>
    %swap3A = arith.constant 0 : index
    %swap3A_27 = arith.constant 0 : index
    %swap3A_28 = vector.load %arg5[%swap3A, %swap3A_27] : memref<64x4096xf32, #tpu.memory_space<vmem>>, vector<64x4096xf32>
    tpu.vector_store %arg5[%swap3A, %swap3A_27], %logistic3A_26 {strides = array<i32>} : memref<64x4096xf32, #tpu.memory_space<vmem>>, vector<64x4096xf32>,
    return
  }
}

module attributes {stable_mosaic.version = 14 : i64} {
  func.func @_topk_body(%arg0: i32, %arg1: memref<312xi32, #tpu.memory_space<smem>>, %arg2: memref<64x32x128xf32, #tpu.memory_space<vmem>>, %arg3: memref<64x256xi32, #tpu.memory_space<vmem>>) attributes {dimension_semantics = [#tpu.dimension_semantics<arbitrary>], iteration_bounds = array<i64: 1>, scalar_prefetch = 1 : i64, scratch_operands = 0 : i64, tpu.core_type = #tpu.core_type<tc>, window_params = [{pipeline_mode = #tpu.pipeline_mode<synchronous>, transform_indices = @transform_0, window_bounds = array<i64: 64, 32, 128>}, {pipeline_mode = #tpu.pipeline_mode<synchronous>, transform_indices = @transform_1, window_bounds = array<i64: 64, 256>}]} {
    %iota3A = tpu.iota {dimensions = array<i32: 1>} : vector<64x32x128xi32>
    %iota3A_0 = tpu.iota {dimensions = array<i32: 2>} : vector<64x32x128xi32>
    %mul3A = arith.constant 128 : i32
    %mul3A_1 = vector.broadcast %mul3A : i32 to vector<64x32x128xi32>
    %mul3A_2 = arith.muli %iota3A, %mul3A_1 : vector<64x32x128xi32>
    %add3A = arith.addi %mul3A_2, %iota3A_0 : vector<64x32x128xi32>
    %mul3A_3 = arith.constant 32 : i32
    %mul3A_4 = vector.broadcast %mul3A_3 : i32 to vector<64x32x128xi32>
    %mul3A_5 = arith.muli %iota3A_0, %mul3A_4 : vector<64x32x128xi32>
    %add3A_6 = arith.addi %mul3A_5, %iota3A : vector<64x32x128xi32>
    %get3A = arith.constant 0 : index
    %get3A_7 = arith.constant 0 : index
    %get3A_8 = arith.constant 0 : index
    %get3A_9 = vector.load %arg2[%get3A, %get3A_7, %get3A_8] : memref<64x32x128xf32, #tpu.memory_space<vmem>>, vector<64x32x128xf32>
    %scan3A = arith.constant 0 : i32
    %mul3A_10 = arith.constant 4 : i32
    %mul3A_11 = arith.muli %scan3A, %mul3A_10 : i32
    %add3A_12 = arith.constant 0 : i32
    %add3A_13 = arith.addi %mul3A_11, %add3A_12 : i32
    %get3A_14 = arith.index_cast %add3A_13 : i32 to index
    %get3A_15 = memref.load %arg1[%get3A_14] : memref<312xi32, #tpu.memory_space<smem>>
    %mul3A_16 = arith.constant 4 : i32
    %mul3A_17 = arith.muli %scan3A, %mul3A_16 : i32
    %add3A_18 = arith.constant 3 : i32
    %add3A_19 = arith.addi %mul3A_17, %add3A_18 : i32
    %get3A_20 = arith.index_cast %add3A_19 : i32 to index
    %get3A_21 = memref.load %arg1[%get3A_20] : memref<312xi32, #tpu.memory_space<smem>>
    %and3A = vector.broadcast %get3A_15 : i32 to vector<64x32x128xi32>
    %and3A_22 = arith.andi %iota3A, %and3A : vector<64x32x128xi32>
    %ne3A = arith.constant 0 : i32
    %ne3A_23 = vector.broadcast %ne3A : i32 to vector<64x32x128xi32>
    %ne3A_24 = arith.cmpi ne, %and3A_22, %ne3A_23 : vector<64x32x128xi32>
    %sub3A = arith.constant 32 : i32
    %sub3A_25 = arith.subi %sub3A, %get3A_15 : i32
    %roll3A = tpu.dynamic_rotate %get3A_9 by %get3A_15 dim 1 : vector<64x32x128xf32>, i32 -> vector<64x32x128xf32>
    %roll3A_26 = tpu.dynamic_rotate %get3A_9 by %sub3A_25 dim 1 : vector<64x32x128xf32>, i32 -> vector<64x32x128xf32>
    %select_n3A = arith.select %ne3A_24, %roll3A, %roll3A_26 : vector<64x32x128xi1>, vector<64x32x128xf32>
    %roll3A_27 = tpu.dynamic_rotate %add3A by %get3A_15 dim 1 : vector<64x32x128xi32>, i32 -> vector<64x32x128xi32>
    %roll3A_28 = tpu.dynamic_rotate %add3A by %sub3A_25 dim 1 : vector<64x32x128xi32>, i32 -> vector<64x32x128xi32>
    %select_n3A_29 = arith.select %ne3A_24, %roll3A_27, %roll3A_28 : vector<64x32x128xi1>, vector<64x32x128xi32>
    %and3A_30 = vector.broadcast %get3A_21 : i32 to vector<64x32x128xi32>
    %and3A_31 = arith.andi %add3A_6, %and3A_30 : vector<64x32x128xi32>
    %eq3A = arith.constant 0 : i32
    %eq3A_32 = vector.broadcast %eq3A : i32 to vector<64x32x128xi32>
    %eq3A_33 = arith.cmpi eq, %and3A_31, %eq3A_32 : vector<64x32x128xi32>
    %gt3A = arith.cmpf ogt, %get3A_9, %select_n3A : vector<64x32x128xf32>
    %eq3A_34 = arith.cmpf oeq, %get3A_9, %select_n3A : vector<64x32x128xf32>
    %lt3A = arith.cmpi slt, %add3A, %select_n3A_29 : vector<64x32x128xi32>
    %and3A_35 = arith.andi %eq3A_34, %lt3A : vector<64x32x128xi1>
    %or3A = arith.ori %gt3A, %and3A_35 : vector<64x32x128xi1>
    %xor3A = arith.xori %eq3A_33, %ne3A_24 : vector<64x32x128xi1>
    %xor3A_36 = arith.xori %or3A, %xor3A : vector<64x32x128xi1>
    %not3A = arith.constant dense<true> : vector<64x32x128xi1>
    %not3A_37 = arith.xori %xor3A_36, %not3A : vector<64x32x128xi1>
    %select_n3A_38 = arith.select %not3A_37, %get3A_9, %select_n3A : vector<64x32x128xi1>, vector<64x32x128xf32>
    %select_n3A_39 = arith.select %not3A_37, %add3A, %select_n3A_29 : vector<64x32x128xi1>, vector<64x32x128xi32>
    %scan3A_40 = arith.constant 1 : i32
    %scan3A_41 = arith.constant 1 : i32
    %scan3A_42 = arith.constant 2 : i32
    %scan3A_43 = arith.addi %scan3A_41, %scan3A_42 : i32
    %scan3A_44 = arith.constant 1 : i32
    %scan3A_45:2 = scf.for %scan3A_381 = %scan3A_41 to %scan3A_43 step %scan3A_44 iter_args(%scan3A_382 = %select_n3A_38, %scan3A_383 = %select_n3A_39) -> (vector<64x32x128xf32>, vector<64x32x128xi32>)  : i32 {
      %mul3A_384 = arith.constant 4 : i32
      %mul3A_385 = arith.muli %scan3A_381, %mul3A_384 : i32
      %add3A_386 = arith.constant 0 : i32
      %add3A_387 = arith.addi %mul3A_385, %add3A_386 : i32
      %get3A_388 = arith.index_cast %add3A_387 : i32 to index
      %get3A_389 = memref.load %arg1[%get3A_388] : memref<312xi32, #tpu.memory_space<smem>>
      %mul3A_390 = arith.constant 4 : i32
      %mul3A_391 = arith.muli %scan3A_381, %mul3A_390 : i32
      %add3A_392 = arith.constant 3 : i32
      %add3A_393 = arith.addi %mul3A_391, %add3A_392 : i32
      %get3A_394 = arith.index_cast %add3A_393 : i32 to index
      %get3A_395 = memref.load %arg1[%get3A_394] : memref<312xi32, #tpu.memory_space<smem>>
      %and3A_396 = vector.broadcast %get3A_389 : i32 to vector<64x32x128xi32>
      %and3A_397 = arith.andi %iota3A, %and3A_396 : vector<64x32x128xi32>
      %ne3A_398 = arith.constant 0 : i32
      %ne3A_399 = vector.broadcast %ne3A_398 : i32 to vector<64x32x128xi32>
      %ne3A_400 = arith.cmpi ne, %and3A_397, %ne3A_399 : vector<64x32x128xi32>
      %sub3A_401 = arith.constant 32 : i32
      %sub3A_402 = arith.subi %sub3A_401, %get3A_389 : i32
      %roll3A_403 = tpu.dynamic_rotate %scan3A_382 by %get3A_389 dim 1 : vector<64x32x128xf32>, i32 -> vector<64x32x128xf32>
      %roll3A_404 = tpu.dynamic_rotate %scan3A_382 by %sub3A_402 dim 1 : vector<64x32x128xf32>, i32 -> vector<64x32x128xf32>
      %select_n3A_405 = arith.select %ne3A_400, %roll3A_403, %roll3A_404 : vector<64x32x128xi1>, vector<64x32x128xf32>
      %roll3A_406 = tpu.dynamic_rotate %scan3A_383 by %get3A_389 dim 1 : vector<64x32x128xi32>, i32 -> vector<64x32x128xi32>
      %roll3A_407 = tpu.dynamic_rotate %scan3A_383 by %sub3A_402 dim 1 : vector<64x32x128xi32>, i32 -> vector<64x32x128xi32>
      %select_n3A_408 = arith.select %ne3A_400, %roll3A_406, %roll3A_407 : vector<64x32x128xi1>, vector<64x32x128xi32>
      %and3A_409 = vector.broadcast %get3A_395 : i32 to vector<64x32x128xi32>
      %and3A_410 = arith.andi %add3A_6, %and3A_409 : vector<64x32x128xi32>
      %eq3A_411 = arith.constant 0 : i32
      %eq3A_412 = vector.broadcast %eq3A_411 : i32 to vector<64x32x128xi32>
      %eq3A_413 = arith.cmpi eq, %and3A_410, %eq3A_412 : vector<64x32x128xi32>
      %gt3A_414 = arith.cmpf ogt, %scan3A_382, %select_n3A_405 : vector<64x32x128xf32>
      %eq3A_415 = arith.cmpf oeq, %scan3A_382, %select_n3A_405 : vector<64x32x128xf32>
      %lt3A_416 = arith.cmpi slt, %scan3A_383, %select_n3A_408 : vector<64x32x128xi32>
      %and3A_417 = arith.andi %eq3A_415, %lt3A_416 : vector<64x32x128xi1>
      %or3A_418 = arith.ori %gt3A_414, %and3A_417 : vector<64x32x128xi1>
      %xor3A_419 = arith.xori %eq3A_413, %ne3A_400 : vector<64x32x128xi1>
      %xor3A_420 = arith.xori %or3A_418, %xor3A_419 : vector<64x32x128xi1>
      %not3A_421 = arith.constant dense<true> : vector<64x32x128xi1>
      %not3A_422 = arith.xori %xor3A_420, %not3A_421 : vector<64x32x128xi1>
      %select_n3A_423 = arith.select %not3A_422, %scan3A_382, %select_n3A_405 : vector<64x32x128xi1>, vector<64x32x128xf32>
      %select_n3A_424 = arith.select %not3A_422, %scan3A_383, %select_n3A_408 : vector<64x32x128xi1>, vector<64x32x128xi32>
      scf.yield %select_n3A_423, %select_n3A_424 : vector<64x32x128xf32>, vector<64x32x128xi32>
    }
    %scan3A_46 = arith.constant 2 : i32
    %scan3A_47 = arith.constant 3 : i32
    %scan3A_48 = arith.constant 3 : i32
    %scan3A_49 = arith.addi %scan3A_47, %scan3A_48 : i32
    %scan3A_50 = arith.constant 1 : i32
    %scan3A_51:2 = scf.for %scan3A_381 = %scan3A_47 to %scan3A_49 step %scan3A_50 iter_args(%scan3A_382 = %scan3A_45#0, %scan3A_383 = %scan3A_45#1) -> (vector<64x32x128xf32>, vector<64x32x128xi32>)  : i32 {
      %mul3A_384 = arith.constant 4 : i32
      %mul3A_385 = arith.muli %scan3A_381, %mul3A_384 : i32
      %add3A_386 = arith.constant 0 : i32
      %add3A_387 = arith.addi %mul3A_385, %add3A_386 : i32
      %get3A_388 = arith.index_cast %add3A_387 : i32 to index
      %get3A_389 = memref.load %arg1[%get3A_388] : memref<312xi32, #tpu.memory_space<smem>>
      %mul3A_390 = arith.constant 4 : i32
      %mul3A_391 = arith.muli %scan3A_381, %mul3A_390 : i32
      %add3A_392 = arith.constant 3 : i32
      %add3A_393 = arith.addi %mul3A_391, %add3A_392 : i32
      %get3A_394 = arith.index_cast %add3A_393 : i32 to index
      %get3A_395 = memref.load %arg1[%get3A_394] : memref<312xi32, #tpu.memory_space<smem>>
      %and3A_396 = vector.broadcast %get3A_389 : i32 to vector<64x32x128xi32>
      %and3A_397 = arith.andi %iota3A, %and3A_396 : vector<64x32x128xi32>
      %ne3A_398 = arith.constant 0 : i32
      %ne3A_399 = vector.broadcast %ne3A_398 : i32 to vector<64x32x128xi32>
      %ne3A_400 = arith.cmpi ne, %and3A_397, %ne3A_399 : vector<64x32x128xi32>
      %sub3A_401 = arith.constant 32 : i32
      %sub3A_402 = arith.subi %sub3A_401, %get3A_389 : i32
      %roll3A_403 = tpu.dynamic_rotate %scan3A_382 by %get3A_389 dim 1 : vector<64x32x128xf32>, i32 -> vector<64x32x128xf32>
      %roll3A_404 = tpu.dynamic_rotate %scan3A_382 by %sub3A_402 dim 1 : vector<64x32x128xf32>, i32 -> vector<64x32x128xf32>
      %select_n3A_405 = arith.select %ne3A_400, %roll3A_403, %roll3A_404 : vector<64x32x128xi1>, vector<64x32x128xf32>
      %roll3A_406 = tpu.dynamic_rotate %scan3A_383 by %get3A_389 dim 1 : vector<64x32x128xi32>, i32 -> vector<64x32x128xi32>
      %roll3A_407 = tpu.dynamic_rotate %scan3A_383 by %sub3A_402 dim 1 : vector<64x32x128xi32>, i32 -> vector<64x32x128xi32>
      %select_n3A_408 = arith.select %ne3A_400, %roll3A_406, %roll3A_407 : vector<64x32x128xi1>, vector<64x32x128xi32>
      %and3A_409 = vector.broadcast %get3A_395 : i32 to vector<64x32x128xi32>
      %and3A_410 = arith.andi %add3A_6, %and3A_409 : vector<64x32x128xi32>
      %eq3A_411 = arith.constant 0 : i32
      %eq3A_412 = vector.broadcast %eq3A_411 : i32 to vector<64x32x128xi32>
      %eq3A_413 = arith.cmpi eq, %and3A_410, %eq3A_412 : vector<64x32x128xi32>
      %gt3A_414 = arith.cmpf ogt, %scan3A_382, %select_n3A_405 : vector<64x32x128xf32>
      %eq3A_415 = arith.cmpf oeq, %scan3A_382, %select_n3A_405 : vector<64x32x128xf32>
      %lt3A_416 = arith.cmpi slt, %scan3A_383, %select_n3A_408 : vector<64x32x128xi32>
      %and3A_417 = arith.andi %eq3A_415, %lt3A_416 : vector<64x32x128xi1>
      %or3A_418 = arith.ori %gt3A_414, %and3A_417 : vector<64x32x128xi1>
      %xor3A_419 = arith.xori %eq3A_413, %ne3A_400 : vector<64x32x128xi1>
      %xor3A_420 = arith.xori %or3A_418, %xor3A_419 : vector<64x32x128xi1>
      %not3A_421 = arith.constant dense<true> : vector<64x32x128xi1>
      %not3A_422 = arith.xori %xor3A_420, %not3A_421 : vector<64x32x128xi1>
      %select_n3A_423 = arith.select %not3A_422, %scan3A_382, %select_n3A_405 : vector<64x32x128xi1>, vector<64x32x128xf32>
      %select_n3A_424 = arith.select %not3A_422, %scan3A_383, %select_n3A_408 : vector<64x32x128xi1>, vector<64x32x128xi32>
      scf.yield %select_n3A_423, %select_n3A_424 : vector<64x32x128xf32>, vector<64x32x128xi32>
    }
    %scan3A_52 = arith.constant 3 : i32
    %scan3A_53 = arith.constant 6 : i32
    %scan3A_54 = arith.constant 4 : i32
    %scan3A_55 = arith.addi %scan3A_53, %scan3A_54 : i32
    %scan3A_56 = arith.constant 1 : i32
    %scan3A_57:2 = scf.for %scan3A_381 = %scan3A_53 to %scan3A_55 step %scan3A_56 iter_args(%scan3A_382 = %scan3A_51#0, %scan3A_383 = %scan3A_51#1) -> (vector<64x32x128xf32>, vector<64x32x128xi32>)  : i32 {
      %mul3A_384 = arith.constant 4 : i32
      %mul3A_385 = arith.muli %scan3A_381, %mul3A_384 : i32
      %add3A_386 = arith.constant 0 : i32
      %add3A_387 = arith.addi %mul3A_385, %add3A_386 : i32
      %get3A_388 = arith.index_cast %add3A_387 : i32 to index
      %get3A_389 = memref.load %arg1[%get3A_388] : memref<312xi32, #tpu.memory_space<smem>>
      %mul3A_390 = arith.constant 4 : i32
      %mul3A_391 = arith.muli %scan3A_381, %mul3A_390 : i32
      %add3A_392 = arith.constant 3 : i32
      %add3A_393 = arith.addi %mul3A_391, %add3A_392 : i32
      %get3A_394 = arith.index_cast %add3A_393 : i32 to index
      %get3A_395 = memref.load %arg1[%get3A_394] : memref<312xi32, #tpu.memory_space<smem>>
      %and3A_396 = vector.broadcast %get3A_389 : i32 to vector<64x32x128xi32>
      %and3A_397 = arith.andi %iota3A, %and3A_396 : vector<64x32x128xi32>
      %ne3A_398 = arith.constant 0 : i32
      %ne3A_399 = vector.broadcast %ne3A_398 : i32 to vector<64x32x128xi32>
      %ne3A_400 = arith.cmpi ne, %and3A_397, %ne3A_399 : vector<64x32x128xi32>
      %sub3A_401 = arith.constant 32 : i32
      %sub3A_402 = arith.subi %sub3A_401, %get3A_389 : i32
      %roll3A_403 = tpu.dynamic_rotate %scan3A_382 by %get3A_389 dim 1 : vector<64x32x128xf32>, i32 -> vector<64x32x128xf32>
      %roll3A_404 = tpu.dynamic_rotate %scan3A_382 by %sub3A_402 dim 1 : vector<64x32x128xf32>, i32 -> vector<64x32x128xf32>
      %select_n3A_405 = arith.select %ne3A_400, %roll3A_403, %roll3A_404 : vector<64x32x128xi1>, vector<64x32x128xf32>
      %roll3A_406 = tpu.dynamic_rotate %scan3A_383 by %get3A_389 dim 1 : vector<64x32x128xi32>, i32 -> vector<64x32x128xi32>
      %roll3A_407 = tpu.dynamic_rotate %scan3A_383 by %sub3A_402 dim 1 : vector<64x32x128xi32>, i32 -> vector<64x32x128xi32>
      %select_n3A_408 = arith.select %ne3A_400, %roll3A_406, %roll3A_407 : vector<64x32x128xi1>, vector<64x32x128xi32>
      %and3A_409 = vector.broadcast %get3A_395 : i32 to vector<64x32x128xi32>
      %and3A_410 = arith.andi %add3A_6, %and3A_409 : vector<64x32x128xi32>
      %eq3A_411 = arith.constant 0 : i32
      %eq3A_412 = vector.broadcast %eq3A_411 : i32 to vector<64x32x128xi32>
      %eq3A_413 = arith.cmpi eq, %and3A_410, %eq3A_412 : vector<64x32x128xi32>
      %gt3A_414 = arith.cmpf ogt, %scan3A_382, %select_n3A_405 : vector<64x32x128xf32>
      %eq3A_415 = arith.cmpf oeq, %scan3A_382, %select_n3A_405 : vector<64x32x128xf32>
      %lt3A_416 = arith.cmpi slt, %scan3A_383, %select_n3A_408 : vector<64x32x128xi32>
      %and3A_417 = arith.andi %eq3A_415, %lt3A_416 : vector<64x32x128xi1>
      %or3A_418 = arith.ori %gt3A_414, %and3A_417 : vector<64x32x128xi1>
      %xor3A_419 = arith.xori %eq3A_413, %ne3A_400 : vector<64x32x128xi1>
      %xor3A_420 = arith.xori %or3A_418, %xor3A_419 : vector<64x32x128xi1>
      %not3A_421 = arith.constant dense<true> : vector<64x32x128xi1>
      %not3A_422 = arith.xori %xor3A_420, %not3A_421 : vector<64x32x128xi1>
      %select_n3A_423 = arith.select %not3A_422, %scan3A_382, %select_n3A_405 : vector<64x32x128xi1>, vector<64x32x128xf32>
      %select_n3A_424 = arith.select %not3A_422, %scan3A_383, %select_n3A_408 : vector<64x32x128xi1>, vector<64x32x128xi32>
      scf.yield %select_n3A_423, %select_n3A_424 : vector<64x32x128xf32>, vector<64x32x128xi32>
    }
    %scan3A_58 = arith.constant 4 : i32
    %scan3A_59 = arith.constant 10 : i32
    %scan3A_60 = arith.constant 5 : i32
    %scan3A_61 = arith.addi %scan3A_59, %scan3A_60 : i32
    %scan3A_62 = arith.constant 1 : i32
    %scan3A_63:2 = scf.for %scan3A_381 = %scan3A_59 to %scan3A_61 step %scan3A_62 iter_args(%scan3A_382 = %scan3A_57#0, %scan3A_383 = %scan3A_57#1) -> (vector<64x32x128xf32>, vector<64x32x128xi32>)  : i32 {
      %mul3A_384 = arith.constant 4 : i32
      %mul3A_385 = arith.muli %scan3A_381, %mul3A_384 : i32
      %add3A_386 = arith.constant 0 : i32
      %add3A_387 = arith.addi %mul3A_385, %add3A_386 : i32
      %get3A_388 = arith.index_cast %add3A_387 : i32 to index
      %get3A_389 = memref.load %arg1[%get3A_388] : memref<312xi32, #tpu.memory_space<smem>>
      %mul3A_390 = arith.constant 4 : i32
      %mul3A_391 = arith.muli %scan3A_381, %mul3A_390 : i32
      %add3A_392 = arith.constant 3 : i32
      %add3A_393 = arith.addi %mul3A_391, %add3A_392 : i32
      %get3A_394 = arith.index_cast %add3A_393 : i32 to index
      %get3A_395 = memref.load %arg1[%get3A_394] : memref<312xi32, #tpu.memory_space<smem>>
      %and3A_396 = vector.broadcast %get3A_389 : i32 to vector<64x32x128xi32>
      %and3A_397 = arith.andi %iota3A, %and3A_396 : vector<64x32x128xi32>
      %ne3A_398 = arith.constant 0 : i32
      %ne3A_399 = vector.broadcast %ne3A_398 : i32 to vector<64x32x128xi32>
      %ne3A_400 = arith.cmpi ne, %and3A_397, %ne3A_399 : vector<64x32x128xi32>
      %sub3A_401 = arith.constant 32 : i32
      %sub3A_402 = arith.subi %sub3A_401, %get3A_389 : i32
      %roll3A_403 = tpu.dynamic_rotate %scan3A_382 by %get3A_389 dim 1 : vector<64x32x128xf32>, i32 -> vector<64x32x128xf32>
      %roll3A_404 = tpu.dynamic_rotate %scan3A_382 by %sub3A_402 dim 1 : vector<64x32x128xf32>, i32 -> vector<64x32x128xf32>
      %select_n3A_405 = arith.select %ne3A_400, %roll3A_403, %roll3A_404 : vector<64x32x128xi1>, vector<64x32x128xf32>
      %roll3A_406 = tpu.dynamic_rotate %scan3A_383 by %get3A_389 dim 1 : vector<64x32x128xi32>, i32 -> vector<64x32x128xi32>
      %roll3A_407 = tpu.dynamic_rotate %scan3A_383 by %sub3A_402 dim 1 : vector<64x32x128xi32>, i32 -> vector<64x32x128xi32>
      %select_n3A_408 = arith.select %ne3A_400, %roll3A_406, %roll3A_407 : vector<64x32x128xi1>, vector<64x32x128xi32>
      %and3A_409 = vector.broadcast %get3A_395 : i32 to vector<64x32x128xi32>
      %and3A_410 = arith.andi %add3A_6, %and3A_409 : vector<64x32x128xi32>
      %eq3A_411 = arith.constant 0 : i32
      %eq3A_412 = vector.broadcast %eq3A_411 : i32 to vector<64x32x128xi32>
      %eq3A_413 = arith.cmpi eq, %and3A_410, %eq3A_412 : vector<64x32x128xi32>
      %gt3A_414 = arith.cmpf ogt, %scan3A_382, %select_n3A_405 : vector<64x32x128xf32>
      %eq3A_415 = arith.cmpf oeq, %scan3A_382, %select_n3A_405 : vector<64x32x128xf32>
      %lt3A_416 = arith.cmpi slt, %scan3A_383, %select_n3A_408 : vector<64x32x128xi32>
      %and3A_417 = arith.andi %eq3A_415, %lt3A_416 : vector<64x32x128xi1>
      %or3A_418 = arith.ori %gt3A_414, %and3A_417 : vector<64x32x128xi1>
      %xor3A_419 = arith.xori %eq3A_413, %ne3A_400 : vector<64x32x128xi1>
      %xor3A_420 = arith.xori %or3A_418, %xor3A_419 : vector<64x32x128xi1>
      %not3A_421 = arith.constant dense<true> : vector<64x32x128xi1>
      %not3A_422 = arith.xori %xor3A_420, %not3A_421 : vector<64x32x128xi1>
      %select_n3A_423 = arith.select %not3A_422, %scan3A_382, %select_n3A_405 : vector<64x32x128xi1>, vector<64x32x128xf32>
      %select_n3A_424 = arith.select %not3A_422, %scan3A_383, %select_n3A_408 : vector<64x32x128xi1>, vector<64x32x128xi32>
      scf.yield %select_n3A_423, %select_n3A_424 : vector<64x32x128xf32>, vector<64x32x128xi32>
    }
    %scan3A_64 = arith.constant 5 : i32
    %scan3A_65 = arith.constant 15 : i32
    %mul3A_66 = arith.constant 4 : i32
    %mul3A_67 = arith.muli %scan3A_65, %mul3A_66 : i32
    %add3A_68 = arith.constant 1 : i32
    %add3A_69 = arith.addi %mul3A_67, %add3A_68 : i32
    %get3A_70 = arith.index_cast %add3A_69 : i32 to index
    %get3A_71 = memref.load %arg1[%get3A_70] : memref<312xi32, #tpu.memory_space<smem>>
    %mul3A_72 = arith.constant 4 : i32
    %mul3A_73 = arith.muli %scan3A_65, %mul3A_72 : i32
    %add3A_74 = arith.constant 3 : i32
    %add3A_75 = arith.addi %mul3A_73, %add3A_74 : i32
    %get3A_76 = arith.index_cast %add3A_75 : i32 to index
    %get3A_77 = memref.load %arg1[%get3A_76] : memref<312xi32, #tpu.memory_space<smem>>
    %and3A_78 = vector.broadcast %get3A_71 : i32 to vector<64x32x128xi32>
    %and3A_79 = arith.andi %iota3A_0, %and3A_78 : vector<64x32x128xi32>
    %ne3A_80 = arith.constant 0 : i32
    %ne3A_81 = vector.broadcast %ne3A_80 : i32 to vector<64x32x128xi32>
    %ne3A_82 = arith.cmpi ne, %and3A_79, %ne3A_81 : vector<64x32x128xi32>
    %sub3A_83 = arith.constant 128 : i32
    %sub3A_84 = arith.subi %sub3A_83, %get3A_71 : i32
    %roll3A_85 = tpu.dynamic_rotate %scan3A_63#0 by %get3A_71 dim 2 : vector<64x32x128xf32>, i32 -> vector<64x32x128xf32>
    %roll3A_86 = tpu.dynamic_rotate %scan3A_63#0 by %sub3A_84 dim 2 : vector<64x32x128xf32>, i32 -> vector<64x32x128xf32>
    %select_n3A_87 = arith.select %ne3A_82, %roll3A_85, %roll3A_86 : vector<64x32x128xi1>, vector<64x32x128xf32>
    %roll3A_88 = tpu.dynamic_rotate %scan3A_63#1 by %get3A_71 dim 2 : vector<64x32x128xi32>, i32 -> vector<64x32x128xi32>
    %roll3A_89 = tpu.dynamic_rotate %scan3A_63#1 by %sub3A_84 dim 2 : vector<64x32x128xi32>, i32 -> vector<64x32x128xi32>
    %select_n3A_90 = arith.select %ne3A_82, %roll3A_88, %roll3A_89 : vector<64x32x128xi1>, vector<64x32x128xi32>
    %and3A_91 = vector.broadcast %get3A_77 : i32 to vector<64x32x128xi32>
    %and3A_92 = arith.andi %add3A_6, %and3A_91 : vector<64x32x128xi32>
    %eq3A_93 = arith.constant 0 : i32
    %eq3A_94 = vector.broadcast %eq3A_93 : i32 to vector<64x32x128xi32>
    %eq3A_95 = arith.cmpi eq, %and3A_92, %eq3A_94 : vector<64x32x128xi32>
    %gt3A_96 = arith.cmpf ogt, %scan3A_63#0, %select_n3A_87 : vector<64x32x128xf32>
    %eq3A_97 = arith.cmpf oeq, %scan3A_63#0, %select_n3A_87 : vector<64x32x128xf32>
    %lt3A_98 = arith.cmpi slt, %scan3A_63#1, %select_n3A_90 : vector<64x32x128xi32>
    %and3A_99 = arith.andi %eq3A_97, %lt3A_98 : vector<64x32x128xi1>
    %or3A_100 = arith.ori %gt3A_96, %and3A_99 : vector<64x32x128xi1>
    %xor3A_101 = arith.xori %eq3A_95, %ne3A_82 : vector<64x32x128xi1>
    %xor3A_102 = arith.xori %or3A_100, %xor3A_101 : vector<64x32x128xi1>
    %not3A_103 = arith.constant dense<true> : vector<64x32x128xi1>
    %not3A_104 = arith.xori %xor3A_102, %not3A_103 : vector<64x32x128xi1>
    %select_n3A_105 = arith.select %not3A_104, %scan3A_63#0, %select_n3A_87 : vector<64x32x128xi1>, vector<64x32x128xf32>
    %select_n3A_106 = arith.select %not3A_104, %scan3A_63#1, %select_n3A_90 : vector<64x32x128xi1>, vector<64x32x128xi32>
    %scan3A_107 = arith.constant 1 : i32
    %scan3A_108 = arith.constant 16 : i32
    %scan3A_109 = arith.constant 5 : i32
    %scan3A_110 = arith.addi %scan3A_108, %scan3A_109 : i32
    %scan3A_111 = arith.constant 1 : i32
    %scan3A_112:2 = scf.for %scan3A_381 = %scan3A_108 to %scan3A_110 step %scan3A_111 iter_args(%scan3A_382 = %select_n3A_105, %scan3A_383 = %select_n3A_106) -> (vector<64x32x128xf32>, vector<64x32x128xi32>)  : i32 {
      %mul3A_384 = arith.constant 4 : i32
      %mul3A_385 = arith.muli %scan3A_381, %mul3A_384 : i32
      %add3A_386 = arith.constant 0 : i32
      %add3A_387 = arith.addi %mul3A_385, %add3A_386 : i32
      %get3A_388 = arith.index_cast %add3A_387 : i32 to index
      %get3A_389 = memref.load %arg1[%get3A_388] : memref<312xi32, #tpu.memory_space<smem>>
      %mul3A_390 = arith.constant 4 : i32
      %mul3A_391 = arith.muli %scan3A_381, %mul3A_390 : i32
      %add3A_392 = arith.constant 3 : i32
      %add3A_393 = arith.addi %mul3A_391, %add3A_392 : i32
      %get3A_394 = arith.index_cast %add3A_393 : i32 to index
      %get3A_395 = memref.load %arg1[%get3A_394] : memref<312xi32, #tpu.memory_space<smem>>
      %and3A_396 = vector.broadcast %get3A_389 : i32 to vector<64x32x128xi32>
      %and3A_397 = arith.andi %iota3A, %and3A_396 : vector<64x32x128xi32>
      %ne3A_398 = arith.constant 0 : i32
      %ne3A_399 = vector.broadcast %ne3A_398 : i32 to vector<64x32x128xi32>
      %ne3A_400 = arith.cmpi ne, %and3A_397, %ne3A_399 : vector<64x32x128xi32>
      %sub3A_401 = arith.constant 32 : i32
      %sub3A_402 = arith.subi %sub3A_401, %get3A_389 : i32
      %roll3A_403 = tpu.dynamic_rotate %scan3A_382 by %get3A_389 dim 1 : vector<64x32x128xf32>, i32 -> vector<64x32x128xf32>
      %roll3A_404 = tpu.dynamic_rotate %scan3A_382 by %sub3A_402 dim 1 : vector<64x32x128xf32>, i32 -> vector<64x32x128xf32>
      %select_n3A_405 = arith.select %ne3A_400, %roll3A_403, %roll3A_404 : vector<64x32x128xi1>, vector<64x32x128xf32>
      %roll3A_406 = tpu.dynamic_rotate %scan3A_383 by %get3A_389 dim 1 : vector<64x32x128xi32>, i32 -> vector<64x32x128xi32>
      %roll3A_407 = tpu.dynamic_rotate %scan3A_383 by %sub3A_402 dim 1 : vector<64x32x128xi32>, i32 -> vector<64x32x128xi32>
      %select_n3A_408 = arith.select %ne3A_400, %roll3A_406, %roll3A_407 : vector<64x32x128xi1>, vector<64x32x128xi32>
      %and3A_409 = vector.broadcast %get3A_395 : i32 to vector<64x32x128xi32>
      %and3A_410 = arith.andi %add3A_6, %and3A_409 : vector<64x32x128xi32>
      %eq3A_411 = arith.constant 0 : i32
      %eq3A_412 = vector.broadcast %eq3A_411 : i32 to vector<64x32x128xi32>
      %eq3A_413 = arith.cmpi eq, %and3A_410, %eq3A_412 : vector<64x32x128xi32>
      %gt3A_414 = arith.cmpf ogt, %scan3A_382, %select_n3A_405 : vector<64x32x128xf32>
      %eq3A_415 = arith.cmpf oeq, %scan3A_382, %select_n3A_405 : vector<64x32x128xf32>
      %lt3A_416 = arith.cmpi slt, %scan3A_383, %select_n3A_408 : vector<64x32x128xi32>
      %and3A_417 = arith.andi %eq3A_415, %lt3A_416 : vector<64x32x128xi1>
      %or3A_418 = arith.ori %gt3A_414, %and3A_417 : vector<64x32x128xi1>
      %xor3A_419 = arith.xori %eq3A_413, %ne3A_400 : vector<64x32x128xi1>
      %xor3A_420 = arith.xori %or3A_418, %xor3A_419 : vector<64x32x128xi1>
      %not3A_421 = arith.constant dense<true> : vector<64x32x128xi1>
      %not3A_422 = arith.xori %xor3A_420, %not3A_421 : vector<64x32x128xi1>
      %select_n3A_423 = arith.select %not3A_422, %scan3A_382, %select_n3A_405 : vector<64x32x128xi1>, vector<64x32x128xf32>
      %select_n3A_424 = arith.select %not3A_422, %scan3A_383, %select_n3A_408 : vector<64x32x128xi1>, vector<64x32x128xi32>
      scf.yield %select_n3A_423, %select_n3A_424 : vector<64x32x128xf32>, vector<64x32x128xi32>
    }
    %scan3A_113 = arith.constant 5 : i32
    %scan3A_114 = arith.constant 21 : i32
    %scan3A_115 = arith.constant 2 : i32
    %scan3A_116 = arith.addi %scan3A_114, %scan3A_115 : i32
    %scan3A_117 = arith.constant 1 : i32
    %scan3A_118:2 = scf.for %scan3A_381 = %scan3A_114 to %scan3A_116 step %scan3A_117 iter_args(%scan3A_382 = %scan3A_112#0, %scan3A_383 = %scan3A_112#1) -> (vector<64x32x128xf32>, vector<64x32x128xi32>)  : i32 {
      %mul3A_384 = arith.constant 4 : i32
      %mul3A_385 = arith.muli %scan3A_381, %mul3A_384 : i32
      %add3A_386 = arith.constant 1 : i32
      %add3A_387 = arith.addi %mul3A_385, %add3A_386 : i32
      %get3A_388 = arith.index_cast %add3A_387 : i32 to index
      %get3A_389 = memref.load %arg1[%get3A_388] : memref<312xi32, #tpu.memory_space<smem>>
      %mul3A_390 = arith.constant 4 : i32
      %mul3A_391 = arith.muli %scan3A_381, %mul3A_390 : i32
      %add3A_392 = arith.constant 3 : i32
      %add3A_393 = arith.addi %mul3A_391, %add3A_392 : i32
      %get3A_394 = arith.index_cast %add3A_393 : i32 to index
      %get3A_395 = memref.load %arg1[%get3A_394] : memref<312xi32, #tpu.memory_space<smem>>
      %and3A_396 = vector.broadcast %get3A_389 : i32 to vector<64x32x128xi32>
      %and3A_397 = arith.andi %iota3A_0, %and3A_396 : vector<64x32x128xi32>
      %ne3A_398 = arith.constant 0 : i32
      %ne3A_399 = vector.broadcast %ne3A_398 : i32 to vector<64x32x128xi32>
      %ne3A_400 = arith.cmpi ne, %and3A_397, %ne3A_399 : vector<64x32x128xi32>
      %sub3A_401 = arith.constant 128 : i32
      %sub3A_402 = arith.subi %sub3A_401, %get3A_389 : i32
      %roll3A_403 = tpu.dynamic_rotate %scan3A_382 by %get3A_389 dim 2 : vector<64x32x128xf32>, i32 -> vector<64x32x128xf32>
      %roll3A_404 = tpu.dynamic_rotate %scan3A_382 by %sub3A_402 dim 2 : vector<64x32x128xf32>, i32 -> vector<64x32x128xf32>
      %select_n3A_405 = arith.select %ne3A_400, %roll3A_403, %roll3A_404 : vector<64x32x128xi1>, vector<64x32x128xf32>
      %roll3A_406 = tpu.dynamic_rotate %scan3A_383 by %get3A_389 dim 2 : vector<64x32x128xi32>, i32 -> vector<64x32x128xi32>
      %roll3A_407 = tpu.dynamic_rotate %scan3A_383 by %sub3A_402 dim 2 : vector<64x32x128xi32>, i32 -> vector<64x32x128xi32>
      %select_n3A_408 = arith.select %ne3A_400, %roll3A_406, %roll3A_407 : vector<64x32x128xi1>, vector<64x32x128xi32>
      %and3A_409 = vector.broadcast %get3A_395 : i32 to vector<64x32x128xi32>
      %and3A_410 = arith.andi %add3A_6, %and3A_409 : vector<64x32x128xi32>
      %eq3A_411 = arith.constant 0 : i32
      %eq3A_412 = vector.broadcast %eq3A_411 : i32 to vector<64x32x128xi32>
      %eq3A_413 = arith.cmpi eq, %and3A_410, %eq3A_412 : vector<64x32x128xi32>
      %gt3A_414 = arith.cmpf ogt, %scan3A_382, %select_n3A_405 : vector<64x32x128xf32>
      %eq3A_415 = arith.cmpf oeq, %scan3A_382, %select_n3A_405 : vector<64x32x128xf32>
      %lt3A_416 = arith.cmpi slt, %scan3A_383, %select_n3A_408 : vector<64x32x128xi32>
      %and3A_417 = arith.andi %eq3A_415, %lt3A_416 : vector<64x32x128xi1>
      %or3A_418 = arith.ori %gt3A_414, %and3A_417 : vector<64x32x128xi1>
      %xor3A_419 = arith.xori %eq3A_413, %ne3A_400 : vector<64x32x128xi1>
      %xor3A_420 = arith.xori %or3A_418, %xor3A_419 : vector<64x32x128xi1>
      %not3A_421 = arith.constant dense<true> : vector<64x32x128xi1>
      %not3A_422 = arith.xori %xor3A_420, %not3A_421 : vector<64x32x128xi1>
      %select_n3A_423 = arith.select %not3A_422, %scan3A_382, %select_n3A_405 : vector<64x32x128xi1>, vector<64x32x128xf32>
      %select_n3A_424 = arith.select %not3A_422, %scan3A_383, %select_n3A_408 : vector<64x32x128xi1>, vector<64x32x128xi32>
      scf.yield %select_n3A_423, %select_n3A_424 : vector<64x32x128xf32>, vector<64x32x128xi32>
    }
    %scan3A_119 = arith.constant 2 : i32
    %scan3A_120 = arith.constant 23 : i32
    %scan3A_121 = arith.constant 5 : i32
    %scan3A_122 = arith.addi %scan3A_120, %scan3A_121 : i32
    %scan3A_123 = arith.constant 1 : i32
    %scan3A_124:2 = scf.for %scan3A_381 = %scan3A_120 to %scan3A_122 step %scan3A_123 iter_args(%scan3A_382 = %scan3A_118#0, %scan3A_383 = %scan3A_118#1) -> (vector<64x32x128xf32>, vector<64x32x128xi32>)  : i32 {
      %mul3A_384 = arith.constant 4 : i32
      %mul3A_385 = arith.muli %scan3A_381, %mul3A_384 : i32
      %add3A_386 = arith.constant 0 : i32
      %add3A_387 = arith.addi %mul3A_385, %add3A_386 : i32
      %get3A_388 = arith.index_cast %add3A_387 : i32 to index
      %get3A_389 = memref.load %arg1[%get3A_388] : memref<312xi32, #tpu.memory_space<smem>>
      %mul3A_390 = arith.constant 4 : i32
      %mul3A_391 = arith.muli %scan3A_381, %mul3A_390 : i32
      %add3A_392 = arith.constant 3 : i32
      %add3A_393 = arith.addi %mul3A_391, %add3A_392 : i32
      %get3A_394 = arith.index_cast %add3A_393 : i32 to index
      %get3A_395 = memref.load %arg1[%get3A_394] : memref<312xi32, #tpu.memory_space<smem>>
      %and3A_396 = vector.broadcast %get3A_389 : i32 to vector<64x32x128xi32>
      %and3A_397 = arith.andi %iota3A, %and3A_396 : vector<64x32x128xi32>
      %ne3A_398 = arith.constant 0 : i32
      %ne3A_399 = vector.broadcast %ne3A_398 : i32 to vector<64x32x128xi32>
      %ne3A_400 = arith.cmpi ne, %and3A_397, %ne3A_399 : vector<64x32x128xi32>
      %sub3A_401 = arith.constant 32 : i32
      %sub3A_402 = arith.subi %sub3A_401, %get3A_389 : i32
      %roll3A_403 = tpu.dynamic_rotate %scan3A_382 by %get3A_389 dim 1 : vector<64x32x128xf32>, i32 -> vector<64x32x128xf32>
      %roll3A_404 = tpu.dynamic_rotate %scan3A_382 by %sub3A_402 dim 1 : vector<64x32x128xf32>, i32 -> vector<64x32x128xf32>
      %select_n3A_405 = arith.select %ne3A_400, %roll3A_403, %roll3A_404 : vector<64x32x128xi1>, vector<64x32x128xf32>
      %roll3A_406 = tpu.dynamic_rotate %scan3A_383 by %get3A_389 dim 1 : vector<64x32x128xi32>, i32 -> vector<64x32x128xi32>
      %roll3A_407 = tpu.dynamic_rotate %scan3A_383 by %sub3A_402 dim 1 : vector<64x32x128xi32>, i32 -> vector<64x32x128xi32>
      %select_n3A_408 = arith.select %ne3A_400, %roll3A_406, %roll3A_407 : vector<64x32x128xi1>, vector<64x32x128xi32>
      %and3A_409 = vector.broadcast %get3A_395 : i32 to vector<64x32x128xi32>
      %and3A_410 = arith.andi %add3A_6, %and3A_409 : vector<64x32x128xi32>
      %eq3A_411 = arith.constant 0 : i32
      %eq3A_412 = vector.broadcast %eq3A_411 : i32 to vector<64x32x128xi32>
      %eq3A_413 = arith.cmpi eq, %and3A_410, %eq3A_412 : vector<64x32x128xi32>
      %gt3A_414 = arith.cmpf ogt, %scan3A_382, %select_n3A_405 : vector<64x32x128xf32>
      %eq3A_415 = arith.cmpf oeq, %scan3A_382, %select_n3A_405 : vector<64x32x128xf32>
      %lt3A_416 = arith.cmpi slt, %scan3A_383, %select_n3A_408 : vector<64x32x128xi32>
      %and3A_417 = arith.andi %eq3A_415, %lt3A_416 : vector<64x32x128xi1>
      %or3A_418 = arith.ori %gt3A_414, %and3A_417 : vector<64x32x128xi1>
      %xor3A_419 = arith.xori %eq3A_413, %ne3A_400 : vector<64x32x128xi1>
      %xor3A_420 = arith.xori %or3A_418, %xor3A_419 : vector<64x32x128xi1>
      %not3A_421 = arith.constant dense<true> : vector<64x32x128xi1>
      %not3A_422 = arith.xori %xor3A_420, %not3A_421 : vector<64x32x128xi1>
      %select_n3A_423 = arith.select %not3A_422, %scan3A_382, %select_n3A_405 : vector<64x32x128xi1>, vector<64x32x128xf32>
      %select_n3A_424 = arith.select %not3A_422, %scan3A_383, %select_n3A_408 : vector<64x32x128xi1>, vector<64x32x128xi32>
      scf.yield %select_n3A_423, %select_n3A_424 : vector<64x32x128xf32>, vector<64x32x128xi32>
    }
    %scan3A_125 = arith.constant 5 : i32
    %scan3A_126 = arith.constant 28 : i32
    %scan3A_127 = arith.constant 3 : i32
    %scan3A_128 = arith.addi %scan3A_126, %scan3A_127 : i32
    %scan3A_129 = arith.constant 1 : i32
    %scan3A_130:2 = scf.for %scan3A_381 = %scan3A_126 to %scan3A_128 step %scan3A_129 iter_args(%scan3A_382 = %scan3A_124#0, %scan3A_383 = %scan3A_124#1) -> (vector<64x32x128xf32>, vector<64x32x128xi32>)  : i32 {
      %mul3A_384 = arith.constant 4 : i32
      %mul3A_385 = arith.muli %scan3A_381, %mul3A_384 : i32
      %add3A_386 = arith.constant 1 : i32
      %add3A_387 = arith.addi %mul3A_385, %add3A_386 : i32
      %get3A_388 = arith.index_cast %add3A_387 : i32 to index
      %get3A_389 = memref.load %arg1[%get3A_388] : memref<312xi32, #tpu.memory_space<smem>>
      %mul3A_390 = arith.constant 4 : i32
      %mul3A_391 = arith.muli %scan3A_381, %mul3A_390 : i32
      %add3A_392 = arith.constant 3 : i32
      %add3A_393 = arith.addi %mul3A_391, %add3A_392 : i32
      %get3A_394 = arith.index_cast %add3A_393 : i32 to index
      %get3A_395 = memref.load %arg1[%get3A_394] : memref<312xi32, #tpu.memory_space<smem>>
      %and3A_396 = vector.broadcast %get3A_389 : i32 to vector<64x32x128xi32>
      %and3A_397 = arith.andi %iota3A_0, %and3A_396 : vector<64x32x128xi32>
      %ne3A_398 = arith.constant 0 : i32
      %ne3A_399 = vector.broadcast %ne3A_398 : i32 to vector<64x32x128xi32>
      %ne3A_400 = arith.cmpi ne, %and3A_397, %ne3A_399 : vector<64x32x128xi32>
      %sub3A_401 = arith.constant 128 : i32
      %sub3A_402 = arith.subi %sub3A_401, %get3A_389 : i32
      %roll3A_403 = tpu.dynamic_rotate %scan3A_382 by %get3A_389 dim 2 : vector<64x32x128xf32>, i32 -> vector<64x32x128xf32>
      %roll3A_404 = tpu.dynamic_rotate %scan3A_382 by %sub3A_402 dim 2 : vector<64x32x128xf32>, i32 -> vector<64x32x128xf32>
      %select_n3A_405 = arith.select %ne3A_400, %roll3A_403, %roll3A_404 : vector<64x32x128xi1>, vector<64x32x128xf32>
      %roll3A_406 = tpu.dynamic_rotate %scan3A_383 by %get3A_389 dim 2 : vector<64x32x128xi32>, i32 -> vector<64x32x128xi32>
      %roll3A_407 = tpu.dynamic_rotate %scan3A_383 by %sub3A_402 dim 2 : vector<64x32x128xi32>, i32 -> vector<64x32x128xi32>
      %select_n3A_408 = arith.select %ne3A_400, %roll3A_406, %roll3A_407 : vector<64x32x128xi1>, vector<64x32x128xi32>
      %and3A_409 = vector.broadcast %get3A_395 : i32 to vector<64x32x128xi32>
      %and3A_410 = arith.andi %add3A_6, %and3A_409 : vector<64x32x128xi32>
      %eq3A_411 = arith.constant 0 : i32
      %eq3A_412 = vector.broadcast %eq3A_411 : i32 to vector<64x32x128xi32>
      %eq3A_413 = arith.cmpi eq, %and3A_410, %eq3A_412 : vector<64x32x128xi32>
      %gt3A_414 = arith.cmpf ogt, %scan3A_382, %select_n3A_405 : vector<64x32x128xf32>
      %eq3A_415 = arith.cmpf oeq, %scan3A_382, %select_n3A_405 : vector<64x32x128xf32>
      %lt3A_416 = arith.cmpi slt, %scan3A_383, %select_n3A_408 : vector<64x32x128xi32>
      %and3A_417 = arith.andi %eq3A_415, %lt3A_416 : vector<64x32x128xi1>
      %or3A_418 = arith.ori %gt3A_414, %and3A_417 : vector<64x32x128xi1>
      %xor3A_419 = arith.xori %eq3A_413, %ne3A_400 : vector<64x32x128xi1>
      %xor3A_420 = arith.xori %or3A_418, %xor3A_419 : vector<64x32x128xi1>
      %not3A_421 = arith.constant dense<true> : vector<64x32x128xi1>
      %not3A_422 = arith.xori %xor3A_420, %not3A_421 : vector<64x32x128xi1>
      %select_n3A_423 = arith.select %not3A_422, %scan3A_382, %select_n3A_405 : vector<64x32x128xi1>, vector<64x32x128xf32>
      %select_n3A_424 = arith.select %not3A_422, %scan3A_383, %select_n3A_408 : vector<64x32x128xi1>, vector<64x32x128xi32>
      scf.yield %select_n3A_423, %select_n3A_424 : vector<64x32x128xf32>, vector<64x32x128xi32>
    }
    %scan3A_131 = arith.constant 3 : i32
    %scan3A_132 = arith.constant 31 : i32
    %scan3A_133 = arith.constant 5 : i32
    %scan3A_134 = arith.addi %scan3A_132, %scan3A_133 : i32
    %scan3A_135 = arith.constant 1 : i32
    %scan3A_136:2 = scf.for %scan3A_381 = %scan3A_132 to %scan3A_134 step %scan3A_135 iter_args(%scan3A_382 = %scan3A_130#0, %scan3A_383 = %scan3A_130#1) -> (vector<64x32x128xf32>, vector<64x32x128xi32>)  : i32 {
      %mul3A_384 = arith.constant 4 : i32
      %mul3A_385 = arith.muli %scan3A_381, %mul3A_384 : i32
      %add3A_386 = arith.constant 0 : i32
      %add3A_387 = arith.addi %mul3A_385, %add3A_386 : i32
      %get3A_388 = arith.index_cast %add3A_387 : i32 to index
      %get3A_389 = memref.load %arg1[%get3A_388] : memref<312xi32, #tpu.memory_space<smem>>
      %mul3A_390 = arith.constant 4 : i32
      %mul3A_391 = arith.muli %scan3A_381, %mul3A_390 : i32
      %add3A_392 = arith.constant 3 : i32
      %add3A_393 = arith.addi %mul3A_391, %add3A_392 : i32
      %get3A_394 = arith.index_cast %add3A_393 : i32 to index
      %get3A_395 = memref.load %arg1[%get3A_394] : memref<312xi32, #tpu.memory_space<smem>>
      %and3A_396 = vector.broadcast %get3A_389 : i32 to vector<64x32x128xi32>
      %and3A_397 = arith.andi %iota3A, %and3A_396 : vector<64x32x128xi32>
      %ne3A_398 = arith.constant 0 : i32
      %ne3A_399 = vector.broadcast %ne3A_398 : i32 to vector<64x32x128xi32>
      %ne3A_400 = arith.cmpi ne, %and3A_397, %ne3A_399 : vector<64x32x128xi32>
      %sub3A_401 = arith.constant 32 : i32
      %sub3A_402 = arith.subi %sub3A_401, %get3A_389 : i32
      %roll3A_403 = tpu.dynamic_rotate %scan3A_382 by %get3A_389 dim 1 : vector<64x32x128xf32>, i32 -> vector<64x32x128xf32>
      %roll3A_404 = tpu.dynamic_rotate %scan3A_382 by %sub3A_402 dim 1 : vector<64x32x128xf32>, i32 -> vector<64x32x128xf32>
      %select_n3A_405 = arith.select %ne3A_400, %roll3A_403, %roll3A_404 : vector<64x32x128xi1>, vector<64x32x128xf32>
      %roll3A_406 = tpu.dynamic_rotate %scan3A_383 by %get3A_389 dim 1 : vector<64x32x128xi32>, i32 -> vector<64x32x128xi32>
      %roll3A_407 = tpu.dynamic_rotate %scan3A_383 by %sub3A_402 dim 1 : vector<64x32x128xi32>, i32 -> vector<64x32x128xi32>
      %select_n3A_408 = arith.select %ne3A_400, %roll3A_406, %roll3A_407 : vector<64x32x128xi1>, vector<64x32x128xi32>
      %and3A_409 = vector.broadcast %get3A_395 : i32 to vector<64x32x128xi32>
      %and3A_410 = arith.andi %add3A_6, %and3A_409 : vector<64x32x128xi32>
      %eq3A_411 = arith.constant 0 : i32
      %eq3A_412 = vector.broadcast %eq3A_411 : i32 to vector<64x32x128xi32>
      %eq3A_413 = arith.cmpi eq, %and3A_410, %eq3A_412 : vector<64x32x128xi32>
      %gt3A_414 = arith.cmpf ogt, %scan3A_382, %select_n3A_405 : vector<64x32x128xf32>
      %eq3A_415 = arith.cmpf oeq, %scan3A_382, %select_n3A_405 : vector<64x32x128xf32>
      %lt3A_416 = arith.cmpi slt, %scan3A_383, %select_n3A_408 : vector<64x32x128xi32>
      %and3A_417 = arith.andi %eq3A_415, %lt3A_416 : vector<64x32x128xi1>
      %or3A_418 = arith.ori %gt3A_414, %and3A_417 : vector<64x32x128xi1>
      %xor3A_419 = arith.xori %eq3A_413, %ne3A_400 : vector<64x32x128xi1>
      %xor3A_420 = arith.xori %or3A_418, %xor3A_419 : vector<64x32x128xi1>
      %not3A_421 = arith.constant dense<true> : vector<64x32x128xi1>
      %not3A_422 = arith.xori %xor3A_420, %not3A_421 : vector<64x32x128xi1>
      %select_n3A_423 = arith.select %not3A_422, %scan3A_382, %select_n3A_405 : vector<64x32x128xi1>, vector<64x32x128xf32>
      %select_n3A_424 = arith.select %not3A_422, %scan3A_383, %select_n3A_408 : vector<64x32x128xi1>, vector<64x32x128xi32>
      scf.yield %select_n3A_423, %select_n3A_424 : vector<64x32x128xf32>, vector<64x32x128xi32>
    }
    %scan3A_137 = arith.constant 5 : i32
    %scan3A_138 = arith.constant 36 : i32
    %scan3A_139 = arith.constant 4 : i32
    %scan3A_140 = arith.addi %scan3A_138, %scan3A_139 : i32
    %scan3A_141 = arith.constant 1 : i32
    %scan3A_142:2 = scf.for %scan3A_381 = %scan3A_138 to %scan3A_140 step %scan3A_141 iter_args(%scan3A_382 = %scan3A_136#0, %scan3A_383 = %scan3A_136#1) -> (vector<64x32x128xf32>, vector<64x32x128xi32>)  : i32 {
      %mul3A_384 = arith.constant 4 : i32
      %mul3A_385 = arith.muli %scan3A_381, %mul3A_384 : i32
      %add3A_386 = arith.constant 1 : i32
      %add3A_387 = arith.addi %mul3A_385, %add3A_386 : i32
      %get3A_388 = arith.index_cast %add3A_387 : i32 to index
      %get3A_389 = memref.load %arg1[%get3A_388] : memref<312xi32, #tpu.memory_space<smem>>
      %mul3A_390 = arith.constant 4 : i32
      %mul3A_391 = arith.muli %scan3A_381, %mul3A_390 : i32
      %add3A_392 = arith.constant 3 : i32
      %add3A_393 = arith.addi %mul3A_391, %add3A_392 : i32
      %get3A_394 = arith.index_cast %add3A_393 : i32 to index
      %get3A_395 = memref.load %arg1[%get3A_394] : memref<312xi32, #tpu.memory_space<smem>>
      %and3A_396 = vector.broadcast %get3A_389 : i32 to vector<64x32x128xi32>
      %and3A_397 = arith.andi %iota3A_0, %and3A_396 : vector<64x32x128xi32>
      %ne3A_398 = arith.constant 0 : i32
      %ne3A_399 = vector.broadcast %ne3A_398 : i32 to vector<64x32x128xi32>
      %ne3A_400 = arith.cmpi ne, %and3A_397, %ne3A_399 : vector<64x32x128xi32>
      %sub3A_401 = arith.constant 128 : i32
      %sub3A_402 = arith.subi %sub3A_401, %get3A_389 : i32
      %roll3A_403 = tpu.dynamic_rotate %scan3A_382 by %get3A_389 dim 2 : vector<64x32x128xf32>, i32 -> vector<64x32x128xf32>
      %roll3A_404 = tpu.dynamic_rotate %scan3A_382 by %sub3A_402 dim 2 : vector<64x32x128xf32>, i32 -> vector<64x32x128xf32>
      %select_n3A_405 = arith.select %ne3A_400, %roll3A_403, %roll3A_404 : vector<64x32x128xi1>, vector<64x32x128xf32>
      %roll3A_406 = tpu.dynamic_rotate %scan3A_383 by %get3A_389 dim 2 : vector<64x32x128xi32>, i32 -> vector<64x32x128xi32>
      %roll3A_407 = tpu.dynamic_rotate %scan3A_383 by %sub3A_402 dim 2 : vector<64x32x128xi32>, i32 -> vector<64x32x128xi32>
      %select_n3A_408 = arith.select %ne3A_400, %roll3A_406, %roll3A_407 : vector<64x32x128xi1>, vector<64x32x128xi32>
      %and3A_409 = vector.broadcast %get3A_395 : i32 to vector<64x32x128xi32>
      %and3A_410 = arith.andi %add3A_6, %and3A_409 : vector<64x32x128xi32>
      %eq3A_411 = arith.constant 0 : i32
      %eq3A_412 = vector.broadcast %eq3A_411 : i32 to vector<64x32x128xi32>
      %eq3A_413 = arith.cmpi eq, %and3A_410, %eq3A_412 : vector<64x32x128xi32>
      %gt3A_414 = arith.cmpf ogt, %scan3A_382, %select_n3A_405 : vector<64x32x128xf32>
      %eq3A_415 = arith.cmpf oeq, %scan3A_382, %select_n3A_405 : vector<64x32x128xf32>
      %lt3A_416 = arith.cmpi slt, %scan3A_383, %select_n3A_408 : vector<64x32x128xi32>
      %and3A_417 = arith.andi %eq3A_415, %lt3A_416 : vector<64x32x128xi1>
      %or3A_418 = arith.ori %gt3A_414, %and3A_417 : vector<64x32x128xi1>
      %xor3A_419 = arith.xori %eq3A_413, %ne3A_400 : vector<64x32x128xi1>
      %xor3A_420 = arith.xori %or3A_418, %xor3A_419 : vector<64x32x128xi1>
      %not3A_421 = arith.constant dense<true> : vector<64x32x128xi1>
      %not3A_422 = arith.xori %xor3A_420, %not3A_421 : vector<64x32x128xi1>
      %select_n3A_423 = arith.select %not3A_422, %scan3A_382, %select_n3A_405 : vector<64x32x128xi1>, vector<64x32x128xf32>
      %select_n3A_424 = arith.select %not3A_422, %scan3A_383, %select_n3A_408 : vector<64x32x128xi1>, vector<64x32x128xi32>
      scf.yield %select_n3A_423, %select_n3A_424 : vector<64x32x128xf32>, vector<64x32x128xi32>
    }
    %scan3A_143 = arith.constant 4 : i32
    %scan3A_144 = arith.constant 40 : i32
    %scan3A_145 = arith.constant 5 : i32
    %scan3A_146 = arith.addi %scan3A_144, %scan3A_145 : i32
    %scan3A_147 = arith.constant 1 : i32
    %scan3A_148:2 = scf.for %scan3A_381 = %scan3A_144 to %scan3A_146 step %scan3A_147 iter_args(%scan3A_382 = %scan3A_142#0, %scan3A_383 = %scan3A_142#1) -> (vector<64x32x128xf32>, vector<64x32x128xi32>)  : i32 {
      %mul3A_384 = arith.constant 4 : i32
      %mul3A_385 = arith.muli %scan3A_381, %mul3A_384 : i32
      %add3A_386 = arith.constant 0 : i32
      %add3A_387 = arith.addi %mul3A_385, %add3A_386 : i32
      %get3A_388 = arith.index_cast %add3A_387 : i32 to index
      %get3A_389 = memref.load %arg1[%get3A_388] : memref<312xi32, #tpu.memory_space<smem>>
      %mul3A_390 = arith.constant 4 : i32
      %mul3A_391 = arith.muli %scan3A_381, %mul3A_390 : i32
      %add3A_392 = arith.constant 3 : i32
      %add3A_393 = arith.addi %mul3A_391, %add3A_392 : i32
      %get3A_394 = arith.index_cast %add3A_393 : i32 to index
      %get3A_395 = memref.load %arg1[%get3A_394] : memref<312xi32, #tpu.memory_space<smem>>
      %and3A_396 = vector.broadcast %get3A_389 : i32 to vector<64x32x128xi32>
      %and3A_397 = arith.andi %iota3A, %and3A_396 : vector<64x32x128xi32>
      %ne3A_398 = arith.constant 0 : i32
      %ne3A_399 = vector.broadcast %ne3A_398 : i32 to vector<64x32x128xi32>
      %ne3A_400 = arith.cmpi ne, %and3A_397, %ne3A_399 : vector<64x32x128xi32>
      %sub3A_401 = arith.constant 32 : i32
      %sub3A_402 = arith.subi %sub3A_401, %get3A_389 : i32
      %roll3A_403 = tpu.dynamic_rotate %scan3A_382 by %get3A_389 dim 1 : vector<64x32x128xf32>, i32 -> vector<64x32x128xf32>
      %roll3A_404 = tpu.dynamic_rotate %scan3A_382 by %sub3A_402 dim 1 : vector<64x32x128xf32>, i32 -> vector<64x32x128xf32>
      %select_n3A_405 = arith.select %ne3A_400, %roll3A_403, %roll3A_404 : vector<64x32x128xi1>, vector<64x32x128xf32>
      %roll3A_406 = tpu.dynamic_rotate %scan3A_383 by %get3A_389 dim 1 : vector<64x32x128xi32>, i32 -> vector<64x32x128xi32>
      %roll3A_407 = tpu.dynamic_rotate %scan3A_383 by %sub3A_402 dim 1 : vector<64x32x128xi32>, i32 -> vector<64x32x128xi32>
      %select_n3A_408 = arith.select %ne3A_400, %roll3A_406, %roll3A_407 : vector<64x32x128xi1>, vector<64x32x128xi32>
      %and3A_409 = vector.broadcast %get3A_395 : i32 to vector<64x32x128xi32>
      %and3A_410 = arith.andi %add3A_6, %and3A_409 : vector<64x32x128xi32>
      %eq3A_411 = arith.constant 0 : i32
      %eq3A_412 = vector.broadcast %eq3A_411 : i32 to vector<64x32x128xi32>
      %eq3A_413 = arith.cmpi eq, %and3A_410, %eq3A_412 : vector<64x32x128xi32>
      %gt3A_414 = arith.cmpf ogt, %scan3A_382, %select_n3A_405 : vector<64x32x128xf32>
      %eq3A_415 = arith.cmpf oeq, %scan3A_382, %select_n3A_405 : vector<64x32x128xf32>
      %lt3A_416 = arith.cmpi slt, %scan3A_383, %select_n3A_408 : vector<64x32x128xi32>
      %and3A_417 = arith.andi %eq3A_415, %lt3A_416 : vector<64x32x128xi1>
      %or3A_418 = arith.ori %gt3A_414, %and3A_417 : vector<64x32x128xi1>
      %xor3A_419 = arith.xori %eq3A_413, %ne3A_400 : vector<64x32x128xi1>
      %xor3A_420 = arith.xori %or3A_418, %xor3A_419 : vector<64x32x128xi1>
      %not3A_421 = arith.constant dense<true> : vector<64x32x128xi1>
      %not3A_422 = arith.xori %xor3A_420, %not3A_421 : vector<64x32x128xi1>
      %select_n3A_423 = arith.select %not3A_422, %scan3A_382, %select_n3A_405 : vector<64x32x128xi1>, vector<64x32x128xf32>
      %select_n3A_424 = arith.select %not3A_422, %scan3A_383, %select_n3A_408 : vector<64x32x128xi1>, vector<64x32x128xi32>
      scf.yield %select_n3A_423, %select_n3A_424 : vector<64x32x128xf32>, vector<64x32x128xi32>
    }
    %scan3A_149 = arith.constant 5 : i32
    %scan3A_150 = arith.constant 45 : i32
    %scan3A_151 = arith.constant 5 : i32
    %scan3A_152 = arith.addi %scan3A_150, %scan3A_151 : i32
    %scan3A_153 = arith.constant 1 : i32
    %scan3A_154:2 = scf.for %scan3A_381 = %scan3A_150 to %scan3A_152 step %scan3A_153 iter_args(%scan3A_382 = %scan3A_148#0, %scan3A_383 = %scan3A_148#1) -> (vector<64x32x128xf32>, vector<64x32x128xi32>)  : i32 {
      %mul3A_384 = arith.constant 4 : i32
      %mul3A_385 = arith.muli %scan3A_381, %mul3A_384 : i32
      %add3A_386 = arith.constant 1 : i32
      %add3A_387 = arith.addi %mul3A_385, %add3A_386 : i32
      %get3A_388 = arith.index_cast %add3A_387 : i32 to index
      %get3A_389 = memref.load %arg1[%get3A_388] : memref<312xi32, #tpu.memory_space<smem>>
      %mul3A_390 = arith.constant 4 : i32
      %mul3A_391 = arith.muli %scan3A_381, %mul3A_390 : i32
      %add3A_392 = arith.constant 3 : i32
      %add3A_393 = arith.addi %mul3A_391, %add3A_392 : i32
      %get3A_394 = arith.index_cast %add3A_393 : i32 to index
      %get3A_395 = memref.load %arg1[%get3A_394] : memref<312xi32, #tpu.memory_space<smem>>
      %and3A_396 = vector.broadcast %get3A_389 : i32 to vector<64x32x128xi32>
      %and3A_397 = arith.andi %iota3A_0, %and3A_396 : vector<64x32x128xi32>
      %ne3A_398 = arith.constant 0 : i32
      %ne3A_399 = vector.broadcast %ne3A_398 : i32 to vector<64x32x128xi32>
      %ne3A_400 = arith.cmpi ne, %and3A_397, %ne3A_399 : vector<64x32x128xi32>
      %sub3A_401 = arith.constant 128 : i32
      %sub3A_402 = arith.subi %sub3A_401, %get3A_389 : i32
      %roll3A_403 = tpu.dynamic_rotate %scan3A_382 by %get3A_389 dim 2 : vector<64x32x128xf32>, i32 -> vector<64x32x128xf32>
      %roll3A_404 = tpu.dynamic_rotate %scan3A_382 by %sub3A_402 dim 2 : vector<64x32x128xf32>, i32 -> vector<64x32x128xf32>
      %select_n3A_405 = arith.select %ne3A_400, %roll3A_403, %roll3A_404 : vector<64x32x128xi1>, vector<64x32x128xf32>
      %roll3A_406 = tpu.dynamic_rotate %scan3A_383 by %get3A_389 dim 2 : vector<64x32x128xi32>, i32 -> vector<64x32x128xi32>
      %roll3A_407 = tpu.dynamic_rotate %scan3A_383 by %sub3A_402 dim 2 : vector<64x32x128xi32>, i32 -> vector<64x32x128xi32>
      %select_n3A_408 = arith.select %ne3A_400, %roll3A_406, %roll3A_407 : vector<64x32x128xi1>, vector<64x32x128xi32>
      %and3A_409 = vector.broadcast %get3A_395 : i32 to vector<64x32x128xi32>
      %and3A_410 = arith.andi %add3A_6, %and3A_409 : vector<64x32x128xi32>
      %eq3A_411 = arith.constant 0 : i32
      %eq3A_412 = vector.broadcast %eq3A_411 : i32 to vector<64x32x128xi32>
      %eq3A_413 = arith.cmpi eq, %and3A_410, %eq3A_412 : vector<64x32x128xi32>
      %gt3A_414 = arith.cmpf ogt, %scan3A_382, %select_n3A_405 : vector<64x32x128xf32>
      %eq3A_415 = arith.cmpf oeq, %scan3A_382, %select_n3A_405 : vector<64x32x128xf32>
      %lt3A_416 = arith.cmpi slt, %scan3A_383, %select_n3A_408 : vector<64x32x128xi32>
      %and3A_417 = arith.andi %eq3A_415, %lt3A_416 : vector<64x32x128xi1>
      %or3A_418 = arith.ori %gt3A_414, %and3A_417 : vector<64x32x128xi1>
      %xor3A_419 = arith.xori %eq3A_413, %ne3A_400 : vector<64x32x128xi1>
      %xor3A_420 = arith.xori %or3A_418, %xor3A_419 : vector<64x32x128xi1>
      %not3A_421 = arith.constant dense<true> : vector<64x32x128xi1>
      %not3A_422 = arith.xori %xor3A_420, %not3A_421 : vector<64x32x128xi1>
      %select_n3A_423 = arith.select %not3A_422, %scan3A_382, %select_n3A_405 : vector<64x32x128xi1>, vector<64x32x128xf32>
      %select_n3A_424 = arith.select %not3A_422, %scan3A_383, %select_n3A_408 : vector<64x32x128xi1>, vector<64x32x128xi32>
      scf.yield %select_n3A_423, %select_n3A_424 : vector<64x32x128xf32>, vector<64x32x128xi32>
    }
    %scan3A_155 = arith.constant 5 : i32
    %scan3A_156 = arith.constant 50 : i32
    %scan3A_157 = arith.constant 5 : i32
    %scan3A_158 = arith.addi %scan3A_156, %scan3A_157 : i32
    %scan3A_159 = arith.constant 1 : i32
    %scan3A_160:2 = scf.for %scan3A_381 = %scan3A_156 to %scan3A_158 step %scan3A_159 iter_args(%scan3A_382 = %scan3A_154#0, %scan3A_383 = %scan3A_154#1) -> (vector<64x32x128xf32>, vector<64x32x128xi32>)  : i32 {
      %mul3A_384 = arith.constant 4 : i32
      %mul3A_385 = arith.muli %scan3A_381, %mul3A_384 : i32
      %add3A_386 = arith.constant 0 : i32
      %add3A_387 = arith.addi %mul3A_385, %add3A_386 : i32
      %get3A_388 = arith.index_cast %add3A_387 : i32 to index
      %get3A_389 = memref.load %arg1[%get3A_388] : memref<312xi32, #tpu.memory_space<smem>>
      %mul3A_390 = arith.constant 4 : i32
      %mul3A_391 = arith.muli %scan3A_381, %mul3A_390 : i32
      %add3A_392 = arith.constant 3 : i32
      %add3A_393 = arith.addi %mul3A_391, %add3A_392 : i32
      %get3A_394 = arith.index_cast %add3A_393 : i32 to index
      %get3A_395 = memref.load %arg1[%get3A_394] : memref<312xi32, #tpu.memory_space<smem>>
      %and3A_396 = vector.broadcast %get3A_389 : i32 to vector<64x32x128xi32>
      %and3A_397 = arith.andi %iota3A, %and3A_396 : vector<64x32x128xi32>
      %ne3A_398 = arith.constant 0 : i32
      %ne3A_399 = vector.broadcast %ne3A_398 : i32 to vector<64x32x128xi32>
      %ne3A_400 = arith.cmpi ne, %and3A_397, %ne3A_399 : vector<64x32x128xi32>
      %sub3A_401 = arith.constant 32 : i32
      %sub3A_402 = arith.subi %sub3A_401, %get3A_389 : i32
      %roll3A_403 = tpu.dynamic_rotate %scan3A_382 by %get3A_389 dim 1 : vector<64x32x128xf32>, i32 -> vector<64x32x128xf32>
      %roll3A_404 = tpu.dynamic_rotate %scan3A_382 by %sub3A_402 dim 1 : vector<64x32x128xf32>, i32 -> vector<64x32x128xf32>
      %select_n3A_405 = arith.select %ne3A_400, %roll3A_403, %roll3A_404 : vector<64x32x128xi1>, vector<64x32x128xf32>
      %roll3A_406 = tpu.dynamic_rotate %scan3A_383 by %get3A_389 dim 1 : vector<64x32x128xi32>, i32 -> vector<64x32x128xi32>
      %roll3A_407 = tpu.dynamic_rotate %scan3A_383 by %sub3A_402 dim 1 : vector<64x32x128xi32>, i32 -> vector<64x32x128xi32>
      %select_n3A_408 = arith.select %ne3A_400, %roll3A_406, %roll3A_407 : vector<64x32x128xi1>, vector<64x32x128xi32>
      %and3A_409 = vector.broadcast %get3A_395 : i32 to vector<64x32x128xi32>
      %and3A_410 = arith.andi %add3A_6, %and3A_409 : vector<64x32x128xi32>
      %eq3A_411 = arith.constant 0 : i32
      %eq3A_412 = vector.broadcast %eq3A_411 : i32 to vector<64x32x128xi32>
      %eq3A_413 = arith.cmpi eq, %and3A_410, %eq3A_412 : vector<64x32x128xi32>
      %gt3A_414 = arith.cmpf ogt, %scan3A_382, %select_n3A_405 : vector<64x32x128xf32>
      %eq3A_415 = arith.cmpf oeq, %scan3A_382, %select_n3A_405 : vector<64x32x128xf32>
      %lt3A_416 = arith.cmpi slt, %scan3A_383, %select_n3A_408 : vector<64x32x128xi32>
      %and3A_417 = arith.andi %eq3A_415, %lt3A_416 : vector<64x32x128xi1>
      %or3A_418 = arith.ori %gt3A_414, %and3A_417 : vector<64x32x128xi1>
      %xor3A_419 = arith.xori %eq3A_413, %ne3A_400 : vector<64x32x128xi1>
      %xor3A_420 = arith.xori %or3A_418, %xor3A_419 : vector<64x32x128xi1>
      %not3A_421 = arith.constant dense<true> : vector<64x32x128xi1>
      %not3A_422 = arith.xori %xor3A_420, %not3A_421 : vector<64x32x128xi1>
      %select_n3A_423 = arith.select %not3A_422, %scan3A_382, %select_n3A_405 : vector<64x32x128xi1>, vector<64x32x128xf32>
      %select_n3A_424 = arith.select %not3A_422, %scan3A_383, %select_n3A_408 : vector<64x32x128xi1>, vector<64x32x128xi32>
      scf.yield %select_n3A_423, %select_n3A_424 : vector<64x32x128xf32>, vector<64x32x128xi32>
    }
    %scan3A_161 = arith.constant 5 : i32
    %scan3A_162 = arith.constant 55 : i32
    %scan3A_163 = arith.constant 6 : i32
    %scan3A_164 = arith.addi %scan3A_162, %scan3A_163 : i32
    %scan3A_165 = arith.constant 1 : i32
    %scan3A_166:2 = scf.for %scan3A_381 = %scan3A_162 to %scan3A_164 step %scan3A_165 iter_args(%scan3A_382 = %scan3A_160#0, %scan3A_383 = %scan3A_160#1) -> (vector<64x32x128xf32>, vector<64x32x128xi32>)  : i32 {
      %mul3A_384 = arith.constant 4 : i32
      %mul3A_385 = arith.muli %scan3A_381, %mul3A_384 : i32
      %add3A_386 = arith.constant 1 : i32
      %add3A_387 = arith.addi %mul3A_385, %add3A_386 : i32
      %get3A_388 = arith.index_cast %add3A_387 : i32 to index
      %get3A_389 = memref.load %arg1[%get3A_388] : memref<312xi32, #tpu.memory_space<smem>>
      %mul3A_390 = arith.constant 4 : i32
      %mul3A_391 = arith.muli %scan3A_381, %mul3A_390 : i32
      %add3A_392 = arith.constant 3 : i32
      %add3A_393 = arith.addi %mul3A_391, %add3A_392 : i32
      %get3A_394 = arith.index_cast %add3A_393 : i32 to index
      %get3A_395 = memref.load %arg1[%get3A_394] : memref<312xi32, #tpu.memory_space<smem>>
      %and3A_396 = vector.broadcast %get3A_389 : i32 to vector<64x32x128xi32>
      %and3A_397 = arith.andi %iota3A_0, %and3A_396 : vector<64x32x128xi32>
      %ne3A_398 = arith.constant 0 : i32
      %ne3A_399 = vector.broadcast %ne3A_398 : i32 to vector<64x32x128xi32>
      %ne3A_400 = arith.cmpi ne, %and3A_397, %ne3A_399 : vector<64x32x128xi32>
      %sub3A_401 = arith.constant 128 : i32
      %sub3A_402 = arith.subi %sub3A_401, %get3A_389 : i32
      %roll3A_403 = tpu.dynamic_rotate %scan3A_382 by %get3A_389 dim 2 : vector<64x32x128xf32>, i32 -> vector<64x32x128xf32>
      %roll3A_404 = tpu.dynamic_rotate %scan3A_382 by %sub3A_402 dim 2 : vector<64x32x128xf32>, i32 -> vector<64x32x128xf32>
      %select_n3A_405 = arith.select %ne3A_400, %roll3A_403, %roll3A_404 : vector<64x32x128xi1>, vector<64x32x128xf32>
      %roll3A_406 = tpu.dynamic_rotate %scan3A_383 by %get3A_389 dim 2 : vector<64x32x128xi32>, i32 -> vector<64x32x128xi32>
      %roll3A_407 = tpu.dynamic_rotate %scan3A_383 by %sub3A_402 dim 2 : vector<64x32x128xi32>, i32 -> vector<64x32x128xi32>
      %select_n3A_408 = arith.select %ne3A_400, %roll3A_406, %roll3A_407 : vector<64x32x128xi1>, vector<64x32x128xi32>
      %and3A_409 = vector.broadcast %get3A_395 : i32 to vector<64x32x128xi32>
      %and3A_410 = arith.andi %add3A_6, %and3A_409 : vector<64x32x128xi32>
      %eq3A_411 = arith.constant 0 : i32
      %eq3A_412 = vector.broadcast %eq3A_411 : i32 to vector<64x32x128xi32>
      %eq3A_413 = arith.cmpi eq, %and3A_410, %eq3A_412 : vector<64x32x128xi32>
      %gt3A_414 = arith.cmpf ogt, %scan3A_382, %select_n3A_405 : vector<64x32x128xf32>
      %eq3A_415 = arith.cmpf oeq, %scan3A_382, %select_n3A_405 : vector<64x32x128xf32>
      %lt3A_416 = arith.cmpi slt, %scan3A_383, %select_n3A_408 : vector<64x32x128xi32>
      %and3A_417 = arith.andi %eq3A_415, %lt3A_416 : vector<64x32x128xi1>
      %or3A_418 = arith.ori %gt3A_414, %and3A_417 : vector<64x32x128xi1>
      %xor3A_419 = arith.xori %eq3A_413, %ne3A_400 : vector<64x32x128xi1>
      %xor3A_420 = arith.xori %or3A_418, %xor3A_419 : vector<64x32x128xi1>
      %not3A_421 = arith.constant dense<true> : vector<64x32x128xi1>
      %not3A_422 = arith.xori %xor3A_420, %not3A_421 : vector<64x32x128xi1>
      %select_n3A_423 = arith.select %not3A_422, %scan3A_382, %select_n3A_405 : vector<64x32x128xi1>, vector<64x32x128xf32>
      %select_n3A_424 = arith.select %not3A_422, %scan3A_383, %select_n3A_408 : vector<64x32x128xi1>, vector<64x32x128xi32>
      scf.yield %select_n3A_423, %select_n3A_424 : vector<64x32x128xf32>, vector<64x32x128xi32>
    }
    %scan3A_167 = arith.constant 6 : i32
    %scan3A_168 = arith.constant 61 : i32
    %scan3A_169 = arith.constant 5 : i32
    %scan3A_170 = arith.addi %scan3A_168, %scan3A_169 : i32
    %scan3A_171 = arith.constant 1 : i32
    %scan3A_172:2 = scf.for %scan3A_381 = %scan3A_168 to %scan3A_170 step %scan3A_171 iter_args(%scan3A_382 = %scan3A_166#0, %scan3A_383 = %scan3A_166#1) -> (vector<64x32x128xf32>, vector<64x32x128xi32>)  : i32 {
      %mul3A_384 = arith.constant 4 : i32
      %mul3A_385 = arith.muli %scan3A_381, %mul3A_384 : i32
      %add3A_386 = arith.constant 0 : i32
      %add3A_387 = arith.addi %mul3A_385, %add3A_386 : i32
      %get3A_388 = arith.index_cast %add3A_387 : i32 to index
      %get3A_389 = memref.load %arg1[%get3A_388] : memref<312xi32, #tpu.memory_space<smem>>
      %mul3A_390 = arith.constant 4 : i32
      %mul3A_391 = arith.muli %scan3A_381, %mul3A_390 : i32
      %add3A_392 = arith.constant 3 : i32
      %add3A_393 = arith.addi %mul3A_391, %add3A_392 : i32
      %get3A_394 = arith.index_cast %add3A_393 : i32 to index
      %get3A_395 = memref.load %arg1[%get3A_394] : memref<312xi32, #tpu.memory_space<smem>>
      %and3A_396 = vector.broadcast %get3A_389 : i32 to vector<64x32x128xi32>
      %and3A_397 = arith.andi %iota3A, %and3A_396 : vector<64x32x128xi32>
      %ne3A_398 = arith.constant 0 : i32
      %ne3A_399 = vector.broadcast %ne3A_398 : i32 to vector<64x32x128xi32>
      %ne3A_400 = arith.cmpi ne, %and3A_397, %ne3A_399 : vector<64x32x128xi32>
      %sub3A_401 = arith.constant 32 : i32
      %sub3A_402 = arith.subi %sub3A_401, %get3A_389 : i32
      %roll3A_403 = tpu.dynamic_rotate %scan3A_382 by %get3A_389 dim 1 : vector<64x32x128xf32>, i32 -> vector<64x32x128xf32>
      %roll3A_404 = tpu.dynamic_rotate %scan3A_382 by %sub3A_402 dim 1 : vector<64x32x128xf32>, i32 -> vector<64x32x128xf32>
      %select_n3A_405 = arith.select %ne3A_400, %roll3A_403, %roll3A_404 : vector<64x32x128xi1>, vector<64x32x128xf32>
      %roll3A_406 = tpu.dynamic_rotate %scan3A_383 by %get3A_389 dim 1 : vector<64x32x128xi32>, i32 -> vector<64x32x128xi32>
      %roll3A_407 = tpu.dynamic_rotate %scan3A_383 by %sub3A_402 dim 1 : vector<64x32x128xi32>, i32 -> vector<64x32x128xi32>
      %select_n3A_408 = arith.select %ne3A_400, %roll3A_406, %roll3A_407 : vector<64x32x128xi1>, vector<64x32x128xi32>
      %and3A_409 = vector.broadcast %get3A_395 : i32 to vector<64x32x128xi32>
      %and3A_410 = arith.andi %add3A_6, %and3A_409 : vector<64x32x128xi32>
      %eq3A_411 = arith.constant 0 : i32
      %eq3A_412 = vector.broadcast %eq3A_411 : i32 to vector<64x32x128xi32>
      %eq3A_413 = arith.cmpi eq, %and3A_410, %eq3A_412 : vector<64x32x128xi32>
      %gt3A_414 = arith.cmpf ogt, %scan3A_382, %select_n3A_405 : vector<64x32x128xf32>
      %eq3A_415 = arith.cmpf oeq, %scan3A_382, %select_n3A_405 : vector<64x32x128xf32>
      %lt3A_416 = arith.cmpi slt, %scan3A_383, %select_n3A_408 : vector<64x32x128xi32>
      %and3A_417 = arith.andi %eq3A_415, %lt3A_416 : vector<64x32x128xi1>
      %or3A_418 = arith.ori %gt3A_414, %and3A_417 : vector<64x32x128xi1>
      %xor3A_419 = arith.xori %eq3A_413, %ne3A_400 : vector<64x32x128xi1>
      %xor3A_420 = arith.xori %or3A_418, %xor3A_419 : vector<64x32x128xi1>
      %not3A_421 = arith.constant dense<true> : vector<64x32x128xi1>
      %not3A_422 = arith.xori %xor3A_420, %not3A_421 : vector<64x32x128xi1>
      %select_n3A_423 = arith.select %not3A_422, %scan3A_382, %select_n3A_405 : vector<64x32x128xi1>, vector<64x32x128xf32>
      %select_n3A_424 = arith.select %not3A_422, %scan3A_383, %select_n3A_408 : vector<64x32x128xi1>, vector<64x32x128xi32>
      scf.yield %select_n3A_423, %select_n3A_424 : vector<64x32x128xf32>, vector<64x32x128xi32>
    }
    %scan3A_173 = arith.constant 5 : i32
    %scan3A_174 = arith.constant 66 : i32
    %scan3A_175 = arith.constant 4 : i32
    %scan3A_176 = arith.addi %scan3A_174, %scan3A_175 : i32
    %scan3A_177 = arith.constant 1 : i32
    %scan3A_178:2 = scf.for %scan3A_381 = %scan3A_174 to %scan3A_176 step %scan3A_177 iter_args(%scan3A_382 = %scan3A_172#0, %scan3A_383 = %scan3A_172#1) -> (vector<64x32x128xf32>, vector<64x32x128xi32>)  : i32 {
      %mul3A_384 = arith.constant 4 : i32
      %mul3A_385 = arith.muli %scan3A_381, %mul3A_384 : i32
      %add3A_386 = arith.constant 1 : i32
      %add3A_387 = arith.addi %mul3A_385, %add3A_386 : i32
      %get3A_388 = arith.index_cast %add3A_387 : i32 to index
      %get3A_389 = memref.load %arg1[%get3A_388] : memref<312xi32, #tpu.memory_space<smem>>
      %mul3A_390 = arith.constant 4 : i32
      %mul3A_391 = arith.muli %scan3A_381, %mul3A_390 : i32
      %add3A_392 = arith.constant 3 : i32
      %add3A_393 = arith.addi %mul3A_391, %add3A_392 : i32
      %get3A_394 = arith.index_cast %add3A_393 : i32 to index
      %get3A_395 = memref.load %arg1[%get3A_394] : memref<312xi32, #tpu.memory_space<smem>>
      %and3A_396 = vector.broadcast %get3A_389 : i32 to vector<64x32x128xi32>
      %and3A_397 = arith.andi %iota3A_0, %and3A_396 : vector<64x32x128xi32>
      %ne3A_398 = arith.constant 0 : i32
      %ne3A_399 = vector.broadcast %ne3A_398 : i32 to vector<64x32x128xi32>
      %ne3A_400 = arith.cmpi ne, %and3A_397, %ne3A_399 : vector<64x32x128xi32>
      %sub3A_401 = arith.constant 128 : i32
      %sub3A_402 = arith.subi %sub3A_401, %get3A_389 : i32
      %roll3A_403 = tpu.dynamic_rotate %scan3A_382 by %get3A_389 dim 2 : vector<64x32x128xf32>, i32 -> vector<64x32x128xf32>
      %roll3A_404 = tpu.dynamic_rotate %scan3A_382 by %sub3A_402 dim 2 : vector<64x32x128xf32>, i32 -> vector<64x32x128xf32>
      %select_n3A_405 = arith.select %ne3A_400, %roll3A_403, %roll3A_404 : vector<64x32x128xi1>, vector<64x32x128xf32>
      %roll3A_406 = tpu.dynamic_rotate %scan3A_383 by %get3A_389 dim 2 : vector<64x32x128xi32>, i32 -> vector<64x32x128xi32>
      %roll3A_407 = tpu.dynamic_rotate %scan3A_383 by %sub3A_402 dim 2 : vector<64x32x128xi32>, i32 -> vector<64x32x128xi32>
      %select_n3A_408 = arith.select %ne3A_400, %roll3A_406, %roll3A_407 : vector<64x32x128xi1>, vector<64x32x128xi32>
      %and3A_409 = vector.broadcast %get3A_395 : i32 to vector<64x32x128xi32>
      %and3A_410 = arith.andi %add3A_6, %and3A_409 : vector<64x32x128xi32>
      %eq3A_411 = arith.constant 0 : i32
      %eq3A_412 = vector.broadcast %eq3A_411 : i32 to vector<64x32x128xi32>
      %eq3A_413 = arith.cmpi eq, %and3A_410, %eq3A_412 : vector<64x32x128xi32>
      %gt3A_414 = arith.cmpf ogt, %scan3A_382, %select_n3A_405 : vector<64x32x128xf32>
      %eq3A_415 = arith.cmpf oeq, %scan3A_382, %select_n3A_405 : vector<64x32x128xf32>
      %lt3A_416 = arith.cmpi slt, %scan3A_383, %select_n3A_408 : vector<64x32x128xi32>
      %and3A_417 = arith.andi %eq3A_415, %lt3A_416 : vector<64x32x128xi1>
      %or3A_418 = arith.ori %gt3A_414, %and3A_417 : vector<64x32x128xi1>
      %xor3A_419 = arith.xori %eq3A_413, %ne3A_400 : vector<64x32x128xi1>
      %xor3A_420 = arith.xori %or3A_418, %xor3A_419 : vector<64x32x128xi1>
      %not3A_421 = arith.constant dense<true> : vector<64x32x128xi1>
      %not3A_422 = arith.xori %xor3A_420, %not3A_421 : vector<64x32x128xi1>
      %select_n3A_423 = arith.select %not3A_422, %scan3A_382, %select_n3A_405 : vector<64x32x128xi1>, vector<64x32x128xf32>
      %select_n3A_424 = arith.select %not3A_422, %scan3A_383, %select_n3A_408 : vector<64x32x128xi1>, vector<64x32x128xi32>
      scf.yield %select_n3A_423, %select_n3A_424 : vector<64x32x128xf32>, vector<64x32x128xi32>
    }
    %scan3A_179 = arith.constant 4 : i32
    %slice3A = vector.extract_strided_slice %scan3A_178#0 {offsets = [0, 0, 0], sizes = [64, 32, 8], strides = [1, 1, 1]} : vector<64x32x128xf32> to vector<64x32x8xf32>
    %slice3A_180 = vector.extract_strided_slice %scan3A_178#1 {offsets = [0, 0, 0], sizes = [64, 32, 8], strides = [1, 1, 1]} : vector<64x32x128xi32> to vector<64x32x8xi32>
    %slice3A_181 = vector.extract_strided_slice %iota3A {offsets = [0, 0, 0], sizes = [64, 32, 8], strides = [1, 1, 1]} : vector<64x32x128xi32> to vector<64x32x8xi32>
    %slice3A_182 = vector.extract_strided_slice %iota3A_0 {offsets = [0, 0, 0], sizes = [64, 32, 8], strides = [1, 1, 1]} : vector<64x32x128xi32> to vector<64x32x8xi32>
    %and3A_183 = arith.constant 4 : i32
    %and3A_184 = vector.broadcast %and3A_183 : i32 to vector<64x32x8xi32>
    %and3A_185 = arith.andi %slice3A_182, %and3A_184 : vector<64x32x8xi32>
    %ne3A_186 = arith.constant 0 : i32
    %ne3A_187 = vector.broadcast %ne3A_186 : i32 to vector<64x32x8xi32>
    %ne3A_188 = arith.cmpi ne, %and3A_185, %ne3A_187 : vector<64x32x8xi32>
    %roll3A_189 = arith.constant 4 : i32
    %roll3A_190 = tpu.dynamic_rotate %slice3A by %roll3A_189 dim 2 : vector<64x32x8xf32>, i32 -> vector<64x32x8xf32>
    %roll3A_191 = arith.constant 4 : i32
    %roll3A_192 = tpu.dynamic_rotate %slice3A by %roll3A_191 dim 2 : vector<64x32x8xf32>, i32 -> vector<64x32x8xf32>
    %select_n3A_193 = arith.select %ne3A_188, %roll3A_190, %roll3A_192 : vector<64x32x8xi1>, vector<64x32x8xf32>
    %roll3A_194 = arith.constant 4 : i32
    %roll3A_195 = tpu.dynamic_rotate %slice3A_180 by %roll3A_194 dim 2 : vector<64x32x8xi32>, i32 -> vector<64x32x8xi32>
    %roll3A_196 = arith.constant 4 : i32
    %roll3A_197 = tpu.dynamic_rotate %slice3A_180 by %roll3A_196 dim 2 : vector<64x32x8xi32>, i32 -> vector<64x32x8xi32>
    %select_n3A_198 = arith.select %ne3A_188, %roll3A_195, %roll3A_197 : vector<64x32x8xi1>, vector<64x32x8xi32>
    %gt3A_199 = arith.cmpf ogt, %slice3A, %select_n3A_193 : vector<64x32x8xf32>
    %eq3A_200 = arith.cmpf oeq, %slice3A, %select_n3A_193 : vector<64x32x8xf32>
    %lt3A_201 = arith.cmpi slt, %slice3A_180, %select_n3A_198 : vector<64x32x8xi32>
    %and3A_202 = arith.andi %eq3A_200, %lt3A_201 : vector<64x32x8xi1>
    %or3A_203 = arith.ori %gt3A_199, %and3A_202 : vector<64x32x8xi1>
    %xor3A_204 = arith.xori %or3A_203, %ne3A_188 : vector<64x32x8xi1>
    %select_n3A_205 = arith.select %xor3A_204, %slice3A, %select_n3A_193 : vector<64x32x8xi1>, vector<64x32x8xf32>
    %select_n3A_206 = arith.select %xor3A_204, %slice3A_180, %select_n3A_198 : vector<64x32x8xi1>, vector<64x32x8xi32>
    %and3A_207 = arith.constant 2 : i32
    %and3A_208 = vector.broadcast %and3A_207 : i32 to vector<64x32x8xi32>
    %and3A_209 = arith.andi %slice3A_182, %and3A_208 : vector<64x32x8xi32>
    %ne3A_210 = arith.constant 0 : i32
    %ne3A_211 = vector.broadcast %ne3A_210 : i32 to vector<64x32x8xi32>
    %ne3A_212 = arith.cmpi ne, %and3A_209, %ne3A_211 : vector<64x32x8xi32>
    %roll3A_213 = arith.constant 2 : i32
    %roll3A_214 = tpu.dynamic_rotate %select_n3A_205 by %roll3A_213 dim 2 : vector<64x32x8xf32>, i32 -> vector<64x32x8xf32>
    %roll3A_215 = arith.constant 6 : i32
    %roll3A_216 = tpu.dynamic_rotate %select_n3A_205 by %roll3A_215 dim 2 : vector<64x32x8xf32>, i32 -> vector<64x32x8xf32>
    %select_n3A_217 = arith.select %ne3A_212, %roll3A_214, %roll3A_216 : vector<64x32x8xi1>, vector<64x32x8xf32>
    %roll3A_218 = arith.constant 2 : i32
    %roll3A_219 = tpu.dynamic_rotate %select_n3A_206 by %roll3A_218 dim 2 : vector<64x32x8xi32>, i32 -> vector<64x32x8xi32>
    %roll3A_220 = arith.constant 6 : i32
    %roll3A_221 = tpu.dynamic_rotate %select_n3A_206 by %roll3A_220 dim 2 : vector<64x32x8xi32>, i32 -> vector<64x32x8xi32>
    %select_n3A_222 = arith.select %ne3A_212, %roll3A_219, %roll3A_221 : vector<64x32x8xi1>, vector<64x32x8xi32>
    %gt3A_223 = arith.cmpf ogt, %select_n3A_205, %select_n3A_217 : vector<64x32x8xf32>
    %eq3A_224 = arith.cmpf oeq, %select_n3A_205, %select_n3A_217 : vector<64x32x8xf32>
    %lt3A_225 = arith.cmpi slt, %select_n3A_206, %select_n3A_222 : vector<64x32x8xi32>
    %and3A_226 = arith.andi %eq3A_224, %lt3A_225 : vector<64x32x8xi1>
    %or3A_227 = arith.ori %gt3A_223, %and3A_226 : vector<64x32x8xi1>
    %xor3A_228 = arith.xori %or3A_227, %ne3A_212 : vector<64x32x8xi1>
    %select_n3A_229 = arith.select %xor3A_228, %select_n3A_205, %select_n3A_217 : vector<64x32x8xi1>, vector<64x32x8xf32>
    %select_n3A_230 = arith.select %xor3A_228, %select_n3A_206, %select_n3A_222 : vector<64x32x8xi1>, vector<64x32x8xi32>
    %and3A_231 = arith.constant 1 : i32
    %and3A_232 = vector.broadcast %and3A_231 : i32 to vector<64x32x8xi32>
    %and3A_233 = arith.andi %slice3A_182, %and3A_232 : vector<64x32x8xi32>
    %ne3A_234 = arith.constant 0 : i32
    %ne3A_235 = vector.broadcast %ne3A_234 : i32 to vector<64x32x8xi32>
    %ne3A_236 = arith.cmpi ne, %and3A_233, %ne3A_235 : vector<64x32x8xi32>
    %roll3A_237 = arith.constant 1 : i32
    %roll3A_238 = tpu.dynamic_rotate %select_n3A_229 by %roll3A_237 dim 2 : vector<64x32x8xf32>, i32 -> vector<64x32x8xf32>
    %roll3A_239 = arith.constant 7 : i32
    %roll3A_240 = tpu.dynamic_rotate %select_n3A_229 by %roll3A_239 dim 2 : vector<64x32x8xf32>, i32 -> vector<64x32x8xf32>
    %select_n3A_241 = arith.select %ne3A_236, %roll3A_238, %roll3A_240 : vector<64x32x8xi1>, vector<64x32x8xf32>
    %roll3A_242 = arith.constant 1 : i32
    %roll3A_243 = tpu.dynamic_rotate %select_n3A_230 by %roll3A_242 dim 2 : vector<64x32x8xi32>, i32 -> vector<64x32x8xi32>
    %roll3A_244 = arith.constant 7 : i32
    %roll3A_245 = tpu.dynamic_rotate %select_n3A_230 by %roll3A_244 dim 2 : vector<64x32x8xi32>, i32 -> vector<64x32x8xi32>
    %select_n3A_246 = arith.select %ne3A_236, %roll3A_243, %roll3A_245 : vector<64x32x8xi1>, vector<64x32x8xi32>
    %gt3A_247 = arith.cmpf ogt, %select_n3A_229, %select_n3A_241 : vector<64x32x8xf32>
    %eq3A_248 = arith.cmpf oeq, %select_n3A_229, %select_n3A_241 : vector<64x32x8xf32>
    %lt3A_249 = arith.cmpi slt, %select_n3A_230, %select_n3A_246 : vector<64x32x8xi32>
    %and3A_250 = arith.andi %eq3A_248, %lt3A_249 : vector<64x32x8xi1>
    %or3A_251 = arith.ori %gt3A_247, %and3A_250 : vector<64x32x8xi1>
    %xor3A_252 = arith.xori %or3A_251, %ne3A_236 : vector<64x32x8xi1>
    %select_n3A_253 = arith.select %xor3A_252, %select_n3A_229, %select_n3A_241 : vector<64x32x8xi1>, vector<64x32x8xf32>
    %select_n3A_254 = arith.select %xor3A_252, %select_n3A_230, %select_n3A_246 : vector<64x32x8xi1>, vector<64x32x8xi32>
    %and3A_255 = arith.constant 16 : i32
    %and3A_256 = vector.broadcast %and3A_255 : i32 to vector<64x32x8xi32>
    %and3A_257 = arith.andi %slice3A_181, %and3A_256 : vector<64x32x8xi32>
    %ne3A_258 = arith.constant 0 : i32
    %ne3A_259 = vector.broadcast %ne3A_258 : i32 to vector<64x32x8xi32>
    %ne3A_260 = arith.cmpi ne, %and3A_257, %ne3A_259 : vector<64x32x8xi32>
    %roll3A_261 = arith.constant 16 : i32
    %roll3A_262 = tpu.dynamic_rotate %select_n3A_253 by %roll3A_261 dim 1 : vector<64x32x8xf32>, i32 -> vector<64x32x8xf32>
    %roll3A_263 = arith.constant 16 : i32
    %roll3A_264 = tpu.dynamic_rotate %select_n3A_253 by %roll3A_263 dim 1 : vector<64x32x8xf32>, i32 -> vector<64x32x8xf32>
    %select_n3A_265 = arith.select %ne3A_260, %roll3A_262, %roll3A_264 : vector<64x32x8xi1>, vector<64x32x8xf32>
    %roll3A_266 = arith.constant 16 : i32
    %roll3A_267 = tpu.dynamic_rotate %select_n3A_254 by %roll3A_266 dim 1 : vector<64x32x8xi32>, i32 -> vector<64x32x8xi32>
    %roll3A_268 = arith.constant 16 : i32
    %roll3A_269 = tpu.dynamic_rotate %select_n3A_254 by %roll3A_268 dim 1 : vector<64x32x8xi32>, i32 -> vector<64x32x8xi32>
    %select_n3A_270 = arith.select %ne3A_260, %roll3A_267, %roll3A_269 : vector<64x32x8xi1>, vector<64x32x8xi32>
    %gt3A_271 = arith.cmpf ogt, %select_n3A_253, %select_n3A_265 : vector<64x32x8xf32>
    %eq3A_272 = arith.cmpf oeq, %select_n3A_253, %select_n3A_265 : vector<64x32x8xf32>
    %lt3A_273 = arith.cmpi slt, %select_n3A_254, %select_n3A_270 : vector<64x32x8xi32>
    %and3A_274 = arith.andi %eq3A_272, %lt3A_273 : vector<64x32x8xi1>
    %or3A_275 = arith.ori %gt3A_271, %and3A_274 : vector<64x32x8xi1>
    %xor3A_276 = arith.xori %or3A_275, %ne3A_260 : vector<64x32x8xi1>
    %select_n3A_277 = arith.select %xor3A_276, %select_n3A_253, %select_n3A_265 : vector<64x32x8xi1>, vector<64x32x8xf32>
    %select_n3A_278 = arith.select %xor3A_276, %select_n3A_254, %select_n3A_270 : vector<64x32x8xi1>, vector<64x32x8xi32>
    %and3A_279 = arith.constant 8 : i32
    %and3A_280 = vector.broadcast %and3A_279 : i32 to vector<64x32x8xi32>
    %and3A_281 = arith.andi %slice3A_181, %and3A_280 : vector<64x32x8xi32>
    %ne3A_282 = arith.constant 0 : i32
    %ne3A_283 = vector.broadcast %ne3A_282 : i32 to vector<64x32x8xi32>
    %ne3A_284 = arith.cmpi ne, %and3A_281, %ne3A_283 : vector<64x32x8xi32>
    %roll3A_285 = arith.constant 8 : i32
    %roll3A_286 = tpu.dynamic_rotate %select_n3A_277 by %roll3A_285 dim 1 : vector<64x32x8xf32>, i32 -> vector<64x32x8xf32>
    %roll3A_287 = arith.constant 24 : i32
    %roll3A_288 = tpu.dynamic_rotate %select_n3A_277 by %roll3A_287 dim 1 : vector<64x32x8xf32>, i32 -> vector<64x32x8xf32>
    %select_n3A_289 = arith.select %ne3A_284, %roll3A_286, %roll3A_288 : vector<64x32x8xi1>, vector<64x32x8xf32>
    %roll3A_290 = arith.constant 8 : i32
    %roll3A_291 = tpu.dynamic_rotate %select_n3A_278 by %roll3A_290 dim 1 : vector<64x32x8xi32>, i32 -> vector<64x32x8xi32>
    %roll3A_292 = arith.constant 24 : i32
    %roll3A_293 = tpu.dynamic_rotate %select_n3A_278 by %roll3A_292 dim 1 : vector<64x32x8xi32>, i32 -> vector<64x32x8xi32>
    %select_n3A_294 = arith.select %ne3A_284, %roll3A_291, %roll3A_293 : vector<64x32x8xi1>, vector<64x32x8xi32>
    %gt3A_295 = arith.cmpf ogt, %select_n3A_277, %select_n3A_289 : vector<64x32x8xf32>
    %eq3A_296 = arith.cmpf oeq, %select_n3A_277, %select_n3A_289 : vector<64x32x8xf32>
    %lt3A_297 = arith.cmpi slt, %select_n3A_278, %select_n3A_294 : vector<64x32x8xi32>
    %and3A_298 = arith.andi %eq3A_296, %lt3A_297 : vector<64x32x8xi1>
    %or3A_299 = arith.ori %gt3A_295, %and3A_298 : vector<64x32x8xi1>
    %xor3A_300 = arith.xori %or3A_299, %ne3A_284 : vector<64x32x8xi1>
    %select_n3A_301 = arith.select %xor3A_300, %select_n3A_277, %select_n3A_289 : vector<64x32x8xi1>, vector<64x32x8xf32>
    %select_n3A_302 = arith.select %xor3A_300, %select_n3A_278, %select_n3A_294 : vector<64x32x8xi1>, vector<64x32x8xi32>
    %and3A_303 = arith.constant 4 : i32
    %and3A_304 = vector.broadcast %and3A_303 : i32 to vector<64x32x8xi32>
    %and3A_305 = arith.andi %slice3A_181, %and3A_304 : vector<64x32x8xi32>
    %ne3A_306 = arith.constant 0 : i32
    %ne3A_307 = vector.broadcast %ne3A_306 : i32 to vector<64x32x8xi32>
    %ne3A_308 = arith.cmpi ne, %and3A_305, %ne3A_307 : vector<64x32x8xi32>
    %roll3A_309 = arith.constant 4 : i32
    %roll3A_310 = tpu.dynamic_rotate %select_n3A_301 by %roll3A_309 dim 1 : vector<64x32x8xf32>, i32 -> vector<64x32x8xf32>
    %roll3A_311 = arith.constant 28 : i32
    %roll3A_312 = tpu.dynamic_rotate %select_n3A_301 by %roll3A_311 dim 1 : vector<64x32x8xf32>, i32 -> vector<64x32x8xf32>
    %select_n3A_313 = arith.select %ne3A_308, %roll3A_310, %roll3A_312 : vector<64x32x8xi1>, vector<64x32x8xf32>
    %roll3A_314 = arith.constant 4 : i32
    %roll3A_315 = tpu.dynamic_rotate %select_n3A_302 by %roll3A_314 dim 1 : vector<64x32x8xi32>, i32 -> vector<64x32x8xi32>
    %roll3A_316 = arith.constant 28 : i32
    %roll3A_317 = tpu.dynamic_rotate %select_n3A_302 by %roll3A_316 dim 1 : vector<64x32x8xi32>, i32 -> vector<64x32x8xi32>
    %select_n3A_318 = arith.select %ne3A_308, %roll3A_315, %roll3A_317 : vector<64x32x8xi1>, vector<64x32x8xi32>
    %gt3A_319 = arith.cmpf ogt, %select_n3A_301, %select_n3A_313 : vector<64x32x8xf32>
    %eq3A_320 = arith.cmpf oeq, %select_n3A_301, %select_n3A_313 : vector<64x32x8xf32>
    %lt3A_321 = arith.cmpi slt, %select_n3A_302, %select_n3A_318 : vector<64x32x8xi32>
    %and3A_322 = arith.andi %eq3A_320, %lt3A_321 : vector<64x32x8xi1>
    %or3A_323 = arith.ori %gt3A_319, %and3A_322 : vector<64x32x8xi1>
    %xor3A_324 = arith.xori %or3A_323, %ne3A_308 : vector<64x32x8xi1>
    %select_n3A_325 = arith.select %xor3A_324, %select_n3A_301, %select_n3A_313 : vector<64x32x8xi1>, vector<64x32x8xf32>
    %select_n3A_326 = arith.select %xor3A_324, %select_n3A_302, %select_n3A_318 : vector<64x32x8xi1>, vector<64x32x8xi32>
    %and3A_327 = arith.constant 2 : i32
    %and3A_328 = vector.broadcast %and3A_327 : i32 to vector<64x32x8xi32>
    %and3A_329 = arith.andi %slice3A_181, %and3A_328 : vector<64x32x8xi32>
    %ne3A_330 = arith.constant 0 : i32
    %ne3A_331 = vector.broadcast %ne3A_330 : i32 to vector<64x32x8xi32>
    %ne3A_332 = arith.cmpi ne, %and3A_329, %ne3A_331 : vector<64x32x8xi32>
    %roll3A_333 = arith.constant 2 : i32
    %roll3A_334 = tpu.dynamic_rotate %select_n3A_325 by %roll3A_333 dim 1 : vector<64x32x8xf32>, i32 -> vector<64x32x8xf32>
    %roll3A_335 = arith.constant 30 : i32
    %roll3A_336 = tpu.dynamic_rotate %select_n3A_325 by %roll3A_335 dim 1 : vector<64x32x8xf32>, i32 -> vector<64x32x8xf32>
    %select_n3A_337 = arith.select %ne3A_332, %roll3A_334, %roll3A_336 : vector<64x32x8xi1>, vector<64x32x8xf32>
    %roll3A_338 = arith.constant 2 : i32
    %roll3A_339 = tpu.dynamic_rotate %select_n3A_326 by %roll3A_338 dim 1 : vector<64x32x8xi32>, i32 -> vector<64x32x8xi32>
    %roll3A_340 = arith.constant 30 : i32
    %roll3A_341 = tpu.dynamic_rotate %select_n3A_326 by %roll3A_340 dim 1 : vector<64x32x8xi32>, i32 -> vector<64x32x8xi32>
    %select_n3A_342 = arith.select %ne3A_332, %roll3A_339, %roll3A_341 : vector<64x32x8xi1>, vector<64x32x8xi32>
    %gt3A_343 = arith.cmpf ogt, %select_n3A_325, %select_n3A_337 : vector<64x32x8xf32>
    %eq3A_344 = arith.cmpf oeq, %select_n3A_325, %select_n3A_337 : vector<64x32x8xf32>
    %lt3A_345 = arith.cmpi slt, %select_n3A_326, %select_n3A_342 : vector<64x32x8xi32>
    %and3A_346 = arith.andi %eq3A_344, %lt3A_345 : vector<64x32x8xi1>
    %or3A_347 = arith.ori %gt3A_343, %and3A_346 : vector<64x32x8xi1>
    %xor3A_348 = arith.xori %or3A_347, %ne3A_332 : vector<64x32x8xi1>
    %select_n3A_349 = arith.select %xor3A_348, %select_n3A_325, %select_n3A_337 : vector<64x32x8xi1>, vector<64x32x8xf32>
    %select_n3A_350 = arith.select %xor3A_348, %select_n3A_326, %select_n3A_342 : vector<64x32x8xi1>, vector<64x32x8xi32>
    %and3A_351 = arith.constant 1 : i32
    %and3A_352 = vector.broadcast %and3A_351 : i32 to vector<64x32x8xi32>
    %and3A_353 = arith.andi %slice3A_181, %and3A_352 : vector<64x32x8xi32>
    %ne3A_354 = arith.constant 0 : i32
    %ne3A_355 = vector.broadcast %ne3A_354 : i32 to vector<64x32x8xi32>
    %ne3A_356 = arith.cmpi ne, %and3A_353, %ne3A_355 : vector<64x32x8xi32>
    %roll3A_357 = arith.constant 1 : i32
    %roll3A_358 = tpu.dynamic_rotate %select_n3A_349 by %roll3A_357 dim 1 : vector<64x32x8xf32>, i32 -> vector<64x32x8xf32>
    %roll3A_359 = arith.constant 31 : i32
    %roll3A_360 = tpu.dynamic_rotate %select_n3A_349 by %roll3A_359 dim 1 : vector<64x32x8xf32>, i32 -> vector<64x32x8xf32>
    %select_n3A_361 = arith.select %ne3A_356, %roll3A_358, %roll3A_360 : vector<64x32x8xi1>, vector<64x32x8xf32>
    %roll3A_362 = arith.constant 1 : i32
    %roll3A_363 = tpu.dynamic_rotate %select_n3A_350 by %roll3A_362 dim 1 : vector<64x32x8xi32>, i32 -> vector<64x32x8xi32>
    %roll3A_364 = arith.constant 31 : i32
    %roll3A_365 = tpu.dynamic_rotate %select_n3A_350 by %roll3A_364 dim 1 : vector<64x32x8xi32>, i32 -> vector<64x32x8xi32>
    %select_n3A_366 = arith.select %ne3A_356, %roll3A_363, %roll3A_365 : vector<64x32x8xi1>, vector<64x32x8xi32>
    %gt3A_367 = arith.cmpf ogt, %select_n3A_349, %select_n3A_361 : vector<64x32x8xf32>
    %eq3A_368 = arith.cmpf oeq, %select_n3A_349, %select_n3A_361 : vector<64x32x8xf32>
    %lt3A_369 = arith.cmpi slt, %select_n3A_350, %select_n3A_366 : vector<64x32x8xi32>
    %and3A_370 = arith.andi %eq3A_368, %lt3A_369 : vector<64x32x8xi1>
    %or3A_371 = arith.ori %gt3A_367, %and3A_370 : vector<64x32x8xi1>
    %xor3A_372 = arith.xori %or3A_371, %ne3A_356 : vector<64x32x8xi1>
    %select_n3A_373 = arith.select %xor3A_372, %select_n3A_350, %select_n3A_366 : vector<64x32x8xi1>, vector<64x32x8xi32>
    %transpose3A = tpu.transpose %select_n3A_373, [0, 2, 1] : vector<64x32x8xi32> -> vector<64x8x32xi32>
    %reshape3A = vector.shape_cast %transpose3A : vector<64x8x32xi32> to vector<64x256xi32>
    %iota3A_374 = tpu.iota {dimensions = array<i32: 0>} : vector<64x256xi32>
    %mul3A_375 = arith.constant 4096 : i32
    %mul3A_376 = vector.broadcast %mul3A_375 : i32 to vector<64x256xi32>
    %mul3A_377 = arith.muli %iota3A_374, %mul3A_376 : vector<64x256xi32>
    %add3A_378 = arith.addi %reshape3A, %mul3A_377 : vector<64x256xi32>
    %swap3A = arith.constant 0 : index
    %swap3A_379 = arith.constant 0 : index
    %swap3A_380 = vector.load %arg3[%swap3A, %swap3A_379] : memref<64x256xi32, #tpu.memory_space<vmem>>, vector<64x256xi32>
    tpu.vector_store %arg3[%swap3A, %swap3A_379], %add3A_378 {strides = array<i32>} : memref<64x256xi32, #tpu.memory_space<vmem>>, vector<64x256xi32>,
    return
  }
  func.func @transform_0(%arg0: i32, %arg1: memref<312xi32, #tpu.memory_space<smem>>) -> (i32, i32, i32) {
    %c0_i32 = arith.constant 0 : i32
    %c0_i32_0 = arith.constant 0 : i32
    %c0_i32_1 = arith.constant 0 : i32
    %c0_i32_2 = arith.constant 0 : i32
    return %c0_i32, %c0_i32_0, %c0_i32_1 : i32, i32, i32
  }
  func.func @transform_1(%arg0: i32, %arg1: memref<312xi32, #tpu.memory_space<smem>>) -> (i32, i32) {
    %c0_i32 = arith.constant 0 : i32
    %c0_i32_0 = arith.constant 0 : i32
    %c0_i32_1 = arith.constant 0 : i32
    return %c0_i32, %c0_i32_0 : i32, i32
  }
}

</mosaic_0001>

<sc_bundles>
// kernel: kernel.6.cloned.1.call-start
scs
__scs_entry_jumppad:
0x0: {  	(pc) =	sbr.rel $0x88, $3  }
0x1: {  	(tag) =	ssettag $0x0;
	lr =	simm.s32 $0x1  }
0x2: {  	[smem:$0x3F9C] =	sst lr;
	_ =	strace $0xD0000000  }
0x3: {  	_ = 	snop  }
0x4: {  	_ = 	snop  }
0x5: {  	_ = 	snop  }
0x6: {  	_ = 	snop  }
0x7: {  	_ = 	snop  }
__scs_overlays_trampoline_lowered:
0x8: {  	[smem:$0x3FAB] =	sst s0  }
0x9: {  	[smem:$0x3FAC] =	sst s1  }
0xa: {  	[smem:$0x3FAD] =	sst s2  }
0xb: {  	[smem:$0x3FAE] =	sst s3  }
0xc: {  	[smem:$0x3FAF] =	sst s4  }
0xd: {  	[smem:$0x3FB0] =	sst s5  }
0xe: {  	[smem:$0x3FB1] =	sst s6  }
0xf: {  	[smem:$0x3FB2] =	sst s7  }
0x10: {  	[smem:$0x3FB3] =	sst s8  }
0x11: {  	[smem:$0x3FB4] =	sst s9;
	s0 =	simm.s32 @!p0 $0x0  }
0x12: {  	s1 =	sld [smem:$0x3F9A];
	s0 =	simm.s32 @p0 $0x1  }
0x13: {  	[smem:$0x3FB5] =	sst s0;
	s0 =	simm.s32 @!p1 $0x0  }
0x14: {  	s2 =	sld [smem:$0x3F99];
	s0 =	simm.s32 @p1 $0x1  }
0x15: {  	[smem:$0x3FB6] =	sst s0;
	s0 =	simm.s32 @!p2 $0x0  }
0x16: {  	s3 =	sld [smem:$0x3FDB];
	s0 =	simm.s32 @p2 $0x1  }
0x17: {  	s4 =	simm.s32 $0x1BF5;
	[smem:$0x3FB8] =	sst s0  }
0x18: {  	s0 =	sld [smem:$0x3F9B];
	_ =	swait.ge [sflag:s4], $0x0  }
0x19: {  	s7 =	sld [smem:$0x3F9C]  }
0x1a: {  	s8 =	sadd.s32 $0xFFFFE003, lr  }
0x1b: {  	s9 =	sadd.s32 $0xFFFFFEF7, lr;
	s5 =	simm.s32 $0xFFFFFFFF;
	p2 =	slt.u32 s8, $0xFFFFF086  }
0x1c: {  	p1 =	slt.u32 s9, $0xF7A;
	s5 =	simm.s32 @!p2 $0x0  }
0x1d: {  	s5 =	simm.s32 @p1 $0x1;
	p0 =	seq.s32 s7, s2  }
0x1e: {  	s7 =	smul.u32 @!p0 $0xF7A, s2;
	p2 =	seq.s32 @!p0 s5, $0x0  }
0x1f: {  	s9 =	smul.u32 $0xF7A, s1;
	s8 =	simm.s32 @!p0 $0x1BF5;
	p2 =	por !p2, p0  }
0x20: {  	[sflag:s8] =	ssyncset.s32 @!p0 $0xFFFFF086;
	s6 =	sadd.s32 @!p0 s3, s7;
	s7 =	simm.s32 @!p0 $0x108  }
0x21: {  	s3 =	sadd.s32 s3, s9;
	s6 =	sadd.s32 @!p0 $0x88, s6;
	s7 =	simm.s32 @p2 $0x1082  }
0x22: {  	[simem:s7], [sflag:s8] =	dma.local @!p0 [hbm:s6], $0xF7A  }
0x23: {  	s9 =	sor.u32 $0xD0000000, s2;
	s6 =	simm.s32 $0x108;
	_ =	swait.ge @!p0 [sflag:s8], $0x0  }
0x24: {  	s3 =	sadd.s32 $0x88, s3;
	s6 =	simm.s32 @!p1 $0x1082;
	[sflag:s4] =	ssyncset.s32 $0xFFFFF086  }
0x25: {  	[simem:s6], [sflag:s4] =	dma.local [hbm:s3], $0xF7A  }
0x26: {  	[smem:$0x3F9C] =	sst s1;
	(tag) =	ssettag s2;
	_ =	strace s9  }
0x27: {  	s1 =	sld [smem:$0x3FAC]  }
0x28: {  	s2 =	sld [smem:$0x3FAD]  }
0x29: {  	s4 =	sld [smem:$0x3FAF]  }
0x2a: {  	p0 =	seq.s32 s5, $0x0;
	s5 =	sld [smem:$0x3FB0]  }
0x2b: {  	s6 =	sld [smem:$0x3FB1]  }
0x2c: {  	s7 =	sld [smem:$0x3FB2]  }
0x2d: {  	s3 =	simm.s32 $0x108;
	s8 =	sld [smem:$0x3FB3]  }
0x2e: {  	s3 =	simm.s32 @!p0 $0x1082;
	s9 =	sld [smem:$0x3FB4]  }
0x2f: {  	lr =	sadd.s32 s0, s3;
	s0 =	sld [smem:$0x3FAB]  }
0x30: {  	s3 =	sld [smem:$0x3FAE]  }
0x31: {  	[smem:$0x3FB7] =	sst s10  }
0x32: {  	s10 =	sld [smem:$0x3FB5];
	_ =	sdelay $0x3  }
0x33: {  	p0 =	seq.s32 s10, $0x1;
	s10 =	sld [smem:$0x3FB7];
	_ =	sdelay $0x3  }
0x34: {  	[smem:$0x3FB7] =	sst s10  }
0x35: {  	s10 =	sld [smem:$0x3FB6];
	_ =	sdelay $0x3  }
0x36: {  	p1 =	seq.s32 s10, $0x1;
	s10 =	sld [smem:$0x3FB7];
	_ =	sdelay $0x3  }
0x37: {  	[smem:$0x3FB7] =	sst s10  }
0x38: {  	s10 =	sld [smem:$0x3FB8]  }
0x39: {  	_ = 	snop;
	(pc) =	sbr.ind lr, $3  }
0x3a: {  	_ = 	snop  }
0x3b: {  	_ = 	snop  }
0x3c: {  	p2 =	seq.s32 s10, $0x1;
	s10 =	sld [smem:$0x3FB7]  }
0x3d: {  	_ =	shalt  }
0x3e: {  	_ =	shalt  }
0x3f: {  	_ =	shalt  }
0x40: {  	_ =	shalt  }
0x41: {  	_ =	shalt  }
0x42: {  	_ =	shalt  }
0x43: {  	_ =	shalt  }
0x44: {  	_ =	shalt  }
0x45: {  	_ =	shalt  }
0x46: {  	_ =	shalt  }
0x47: {  	_ =	shalt  }
0x48: {  	_ =	shalt  }
0x49: {  	_ =	shalt  }
0x4a: {  	_ =	shalt  }
0x4b: {  	_ =	shalt  }
0x4c: {  	_ =	shalt  }
0x4d: {  	_ =	shalt  }
0x4e: {  	_ =	shalt  }
0x4f: {  	_ =	shalt  }
0x50: {  	_ =	shalt  }
0x51: {  	_ =	shalt  }
0x52: {  	_ =	shalt  }
0x53: {  	_ =	shalt  }
0x54: {  	_ =	shalt  }
0x55: {  	_ =	shalt  }
0x56: {  	_ =	shalt  }
0x57: {  	_ =	shalt  }
0x58: {  	_ =	shalt  }
0x59: {  	_ =	shalt  }
0x5a: {  	_ =	shalt  }
0x5b: {  	_ =	shalt  }
0x5c: {  	_ =	shalt  }
0x5d: {  	_ =	shalt  }
0x5e: {  	_ =	shalt  }
0x5f: {  	_ =	shalt  }
0x60: {  	_ =	shalt  }
0x61: {  	_ =	shalt  }
0x62: {  	_ =	shalt  }
0x63: {  	_ =	shalt  }
0x64: {  	_ =	shalt  }
0x65: {  	_ =	shalt  }
0x66: {  	_ =	shalt  }
0x67: {  	_ =	shalt  }
0x68: {  	_ =	shalt  }
0x69: {  	_ =	shalt  }
0x6a: {  	_ =	shalt  }
0x6b: {  	_ =	shalt  }
0x6c: {  	_ =	shalt  }
0x6d: {  	_ =	shalt  }
0x6e: {  	_ =	shalt  }
0x6f: {  	_ =	shalt  }
0x70: {  	_ =	shalt  }
0x71: {  	_ =	shalt  }
0x72: {  	_ =	shalt  }
0x73: {  	_ =	shalt  }
0x74: {  	_ =	shalt  }
0x75: {  	_ =	shalt  }
0x76: {  	_ =	shalt  }
0x77: {  	_ =	shalt  }
0x78: {  	_ =	shalt  }
0x79: {  	_ =	shalt  }
0x7a: {  	_ =	shalt  }
0x7b: {  	_ =	shalt  }
0x7c: {  	_ =	shalt  }
0x7d: {  	_ =	shalt  }
0x7e: {  	_ =	shalt  }
0x7f: {  	_ =	shalt  }
0x80: {  	_ =	shalt  }
0x81: {  	_ =	shalt  }
0x82: {  	_ =	shalt  }
0x83: {  	_ =	shalt  }
0x84: {  	_ =	shalt  }
0x85: {  	_ =	shalt  }
0x86: {  	_ =	shalt  }
0x87: {  	_ =	shalt  }
.Lfunc_end0:
.L_simem_size_0:
called_computation_lowered:
.L_overlay_start_0:
0x88: {  	s2 =	sld [smem:$0x3FD9]  }
0x89: {  	s3 =	sld [smem:$0x3FFE];
	_ =	sdelay $0x1  }
0x8a: {  	s1 =	srdreg.scid  }
0x8b: {  	s0 =	sand.u32 $0x1, s1  }
0x8c: {  	s17 =	sshll.u32 s0, $0xA;
	s2 =	sadd.s32 s3, s2  }
0x8d: {  	s2 =	sadd.s32 s2, s17  }
0x8e: {  	[smem:$0x3FC3] =	sst s2  }
0x8f: {  	_ = 	snop  }
0x90: {  	s2 =	sld [smem:$0x3FC9]  }
0x91: {  	s18 =	sld [smem:$0x3FD0];
	(tm) =	ssettm $0x1  }
0x92: {  	s4 =	sld [smem:$0x3FFB];
	_ =	sdelay $0x3  }
0x93: {  	_ =	strace s4  }
0x94: {  	s4 =	sld [smem:$0x3FFC];
	_ =	sdelay $0x3  }
0x95: {  	_ =	strace s4  }
0x96: {  	s4 =	sld [smem:$0x3FFD];
	_ =	sdelay $0x3  }
0x97: {  	_ =	strace s4  }
0x98: {  	_ =	strace $0x8FFFFFFF  }
0x99: {  	s19 =	sld [smem:$0x3FDB];
	_ =	sdelay $0x1  }
0x9a: {  	s5 =	simm.s32 $_scs_section_size  }
0x9b: {  	s6 =	simm.s32 $_size__tile_overlayer_lowered;
	s7 =	simm.s32 $_tile_overlayer_lowered  }
0x9c: {  	s22 =	simm.s32 $0x1BFF;
	s21 =	sshll.u32 s7, $0x1;
	s4 =	sadd.s32 s5, s19  }
0x9d: {  	s8 =	simm.s32 $0x0;
	s20 =	sshll.u32 s6, $0x1;
	s6 =	sadd.s32 s21, s4  }
0x9e: {  	[timem:s8], [sflag:s22] =	dma.local [hbm:s6], s20  }
0x9f: {  	_ =	swait.ge [sflag:s22], s20  }
0xa0: {  	s5 =	ssub.s32 $0x0, s20;
	[sflag:s22] =	ssyncset.done $0x0  }
0xa1: {  	[sflag:s22] =	ssyncadd.s32 s5;
	_ =	sdelay $0x1  }
0xa2: {  	s23 =	simm.s32 $0x1B8B  }
0xa3: {  	_ =	swait.ge [sflag:s23], $0x1  }
0xa4: {  	[sflag:s23] =	ssyncset.done $0x0  }
0xa5: {  	s25 =	simm.s32 $0x1B8E;
	s24 =	sld [smem:$0x3FFE];
	[sflag:s23] =	ssyncadd.s32 $0xFFFFFFFF  }
0xa6: {  	s26 =	simm.s32 $execute0_lowered;
	[smem:$0x3FD2] =	sst s25  }
0xa7: {  	s6 =	sshll.u32 s26, $0x1;
	_ =	strace $0x80000046;
	[dreg:$0x1] =	wrdreg $0xFFFFFFFF  }
0xa8: {  	s28 =	simm.s32 $_size_execute0_lowered;
	s4 =	sadd.s32 s4, s6;
	[dreg:$0x0] =	wrdreg $0x0  }
0xa9: {  	s6 =	sshll.u32 s28, $0x1;
	[dreg:$0x2] =	wrdreg s4  }
0xaa: {  	[dreg:$0x3] =	wrdreg s6  }
0xab: {  	[dreg:$0x4] =	wrdreg $0xC0  }
0xac: {  	_ =	task [dreg:s8], $0x5FFFF  }
0xad: {  	[dreg:$0x1] =	wrdreg $0xFFFFFFFF  }
0xae: {  	[dreg:$0x0] =	wrdreg $0x60  }
0xaf: {  	[dreg:$0x2] =	wrdreg s2  }
0xb0: {  	[dreg:$0x3] =	wrdreg s24  }
0xb1: {  	[dreg:$0x4] =	wrdreg s18  }
0xb2: {  	[dreg:$0x5] =	wrdreg $0x9  }
0xb3: {  	_ =	task.clear_ibuf [dreg:s8], $0x6FFFF;
	_ =	strace $0x90000046  }
0xb4: {  	s29 =	simm.s32 $0x9;
	_ =	strace $0x80000048  }
0xb5: {  	_ =	swait.ge [sflag:s29], $0x1  }
0xb6: {  	[sflag:s29] =	ssyncadd.s32 $0xFFFFFFFF  }
0xb7: {  	_ =	strace $0x90000048  }
0xb8: {  	_ =	sfence  }
0xb9: {  	s30 =	sld [smem:$0x0];
	_ =	sdelay $0x2  }
0xba: {  	s31 =	sshll.u32 s1, $0xD;
	s1 =	sshrl.u32 s1, $0x2  }
0xbb: {  	s3 =	sand.u32 $0x4000, s31;
	s1 =	sadd.s32 s1, s30  }
0xbc: {  	s0 =	sor.u32 s3, s0;
	s1 =	sshll.u32 s1, $0x11  }
0xbd: {  	s0 =	sor.u32 s1, s0  }
0xbe: {  	s0 =	sadd.s32 $0x8F2B, s0  }
0xbf: {  	[sflag:s0] =	ssyncadd.remote.s32 $0x1  }
0xc0: {  	_ =	sfence.sel $0xFFFF  }
0xc1: {  	[dreg:$0x0] =	wrdreg $0xFFFFFFFF;
	(pc) =	sbr.abs _section_cstart, $3  }
0xc2: {  	[dreg:$0x1] =	wrdreg $0xFFFFFFFF  }
0xc3: {  	_ =	task.clear_ibuf [dreg:s8], $0x2FFFF;
	_ =	strace $0x9FFFFFFF  }
0xc4: {  	(tm) =	ssettm $0x7FFFFFFF  }
0xc5: {  	_ =	shalt  }
tec
execute0_lowered:
.L_overlay_start_1:
0x0: {  	(tag) =	ssettag $0x1  }
0x1: {  	s2 =	srdreg.scid  }
0x2: {  	s1 =	rddreg [dreg:$0x0];
	s0 =	stileid.u32;
	s12 =	sand.u32 $0x1, s2  }
0x3: {  	s4 =	rddreg [dreg:$0x1];
	s30 =	sshll.u32 s0, $0xA;
	s3 =	sshll.u32 s12, $0x9  }
0x4: {  	s14 =	rddreg [dreg:$0x2];
	s15 =	sor.u32 s3, s30  }
0x5: {  	s2 =	rddreg [dreg:$0x3];
	s3 =	simm.s32 $0x0;
	s5 =	sshrl.u32 s15, $0x3  }
0x6: {  	[smem:$0x7FF] =	sst s3;
	s4 =	sadd.s32 s5, s4  }
0x7: {  	_ =	strace $0x80000047;
	s5 =	sadd.s32 $0xC00, s4;
	s4 =	simm.s32 $0x2  }
0x8: {  	[tilespmem:s3], [sflag:$0x2] =	stream.linear.gather [hbm4b:s5+s3], $0x200, $0x38;
	[tilespmem:$0x10200] =	vst v63  }
0x9: {  	_ =	swait.ge [sflag:s4], $0x200  }
0xa: {  	s6 =	simm.s32 $0x80;
	[sflag:s4] =	ssyncset.done $0x0  }
0xb: {  	s7 =	simm.s32 $0x200;
	s8 =	simm.s32 $0x1;
	[sflag:s4] =	ssyncadd.s32 $0xFFFFFE00  }
0xc: {  	[tilespmem:s7], [sflag:$0x1] =	stream.indirect.gather [hbm4b:s1+s6], $0x80, s3, s6, $0xb8;
	[tilespmem:$0x10200] =	vst v63  }
0xd: {  	_ =	swait.ge [sflag:s8], $0x4000  }
0xe: {  	[sflag:s8] =	ssyncset.done $0x0  }
0xf: {  	s9 =	simm.s32 $0x4200;
	[sflag:s8] =	ssyncadd.s32 $0xFFFFC000  }
0x10: {  	[tilespmem:s9], [sflag:$0x1] =	stream.indirect.gather [hbm4b:s1+s6], $0x80, s6, s6, $0xb8;
	[tilespmem:$0x10200] =	vst v63  }
0x11: {  	_ =	swait.ge [sflag:s8], $0x4000  }
0x12: {  	s10 =	simm.s32 $0x100;
	[sflag:s8] =	ssyncset.done $0x0  }
0x13: {  	s11 =	simm.s32 $0x8200;
	s16 =	ssub.s32 $0x2, s12;
	[sflag:s8] =	ssyncadd.s32 $0xFFFFC000  }
0x14: {  	[tilespmem:s11], [sflag:$0x1] =	stream.indirect.gather [hbm4b:s1+s6], $0x80, s10, s6, $0xb8;
	[tilespmem:$0x10200] =	vst v63  }
0x15: {  	s17 =	sshrl.u32 s16, $0x1;
	_ =	swait.ge [sflag:s8], $0x4000  }
0x16: {  	s13 =	simm.s32 $0xC200;
	s16 =	ssub.s32 s16, s17;
	[sflag:s8] =	ssyncset.done $0x0  }
0x17: {  	s12 =	simm.s32 $0x180;
	s31 =	smax.u32 s16, $0x1;
	[sflag:s8] =	ssyncadd.s32 $0xFFFFC000  }
0x18: {  	[tilespmem:s13], [sflag:$0x1] =	stream.indirect.gather [hbm4b:s1+s6], $0x80, s12, s6, $0xb8;
	[tilespmem:$0x10200] =	vst v63  }
0x19: {  	p0 =	sne.s32 s31, $0x1;
	_ =	swait.ge [sflag:s8], $0x4000  }
.Ltmp0:
0x1a: {  	s15 =	sshll.u32 s15, $0x4;
	[sflag:s8] =	ssyncset.done $0x0;
	(pc) =	sbr.rel @!p0 .LBB2_2-.Ltmp0, $4  }
0x1b: {  	s14 =	sadd.s32 s14, s15;
	[sflag:s8] =	ssyncadd.s32 $0xFFFFC000  }
0x1c: {  	[hbm4b:s14+s3] =	stream.linear.scatter [tilespmem:s7], [sflag:$0x2], $0x10000, $0x38;
	[tilespmem:$0x10200] =	vst v63  }
0x1d: {  	_ =	swait.ge [sflag:s4], $0x10000  }
0x1e: {  	s15 =	sadd.s32 $0xFFFFFFFF, s31;
	[sflag:s4] =	ssyncset.done $0x0  }
.LBB2_1:
0x1f: {  	p0 =	sne.s32 s15, $0x1;
	s15 =	sadd.s32 $0xFFFFFFFF, s15;
	[sflag:s4] =	ssyncadd.s32 $0xFFFF0000  }
0x20: {  	[tilespmem:s3], [sflag:$0x2] =	stream.linear.gather [hbm4b:s5+s3], $0x200, $0x38;
	[tilespmem:$0x10200] =	vst v63  }
0x21: {  	_ =	swait.ge [sflag:s4], $0x200  }
0x22: {  	[sflag:s4] =	ssyncset.done $0x0  }
0x23: {  	[sflag:s4] =	ssyncadd.s32 $0xFFFFFE00  }
0x24: {  	[tilespmem:s7], [sflag:$0x1] =	stream.indirect.gather [hbm4b:s1+s6], $0x80, s3, s6, $0xb8;
	[tilespmem:$0x10200] =	vst v63  }
0x25: {  	_ =	swait.ge [sflag:s8], $0x4000  }
0x26: {  	[sflag:s8] =	ssyncset.done $0x0  }
0x27: {  	[sflag:s8] =	ssyncadd.s32 $0xFFFFC000  }
0x28: {  	[tilespmem:s9], [sflag:$0x1] =	stream.indirect.gather [hbm4b:s1+s6], $0x80, s6, s6, $0xb8;
	[tilespmem:$0x10200] =	vst v63  }
0x29: {  	_ =	swait.ge [sflag:s8], $0x4000  }
0x2a: {  	[sflag:s8] =	ssyncset.done $0x0  }
0x2b: {  	[sflag:s8] =	ssyncadd.s32 $0xFFFFC000  }
0x2c: {  	[tilespmem:s11], [sflag:$0x1] =	stream.indirect.gather [hbm4b:s1+s6], $0x80, s10, s6, $0xb8;
	[tilespmem:$0x10200] =	vst v63  }
0x2d: {  	_ =	swait.ge [sflag:s8], $0x4000  }
0x2e: {  	[sflag:s8] =	ssyncset.done $0x0  }
0x2f: {  	[sflag:s8] =	ssyncadd.s32 $0xFFFFC000  }
0x30: {  	[tilespmem:s13], [sflag:$0x1] =	stream.indirect.gather [hbm4b:s1+s6], $0x80, s12, s6, $0xb8;
	[tilespmem:$0x10200] =	vst v63  }
0x31: {  	_ =	swait.ge [sflag:s8], $0x4000  }
.Ltmp1:
0x32: {  	[sflag:s8] =	ssyncset.done $0x0;
	(pc) =	sbr.rel @p0 .LBB2_1-.Ltmp1, $4  }
0x33: {  	[sflag:s8] =	ssyncadd.s32 $0xFFFFC000  }
0x34: {  	[hbm4b:s14+s3] =	stream.linear.scatter [tilespmem:s7], [sflag:$0x2], $0x10000, $0x38;
	[tilespmem:$0x10200] =	vst v63  }
0x35: {  	_ =	swait.ge [sflag:s4], $0x10000  }
0x36: {  	[sflag:s4] =	ssyncset.done $0x0  }
.LBB2_2:
0x37: {  	[sflag:s4] =	ssyncadd.s32 $0xFFFF0000  }
0x38: {  	_ =	sfence.sel $0x180000  }
0x39: {  	[bflag:$0x0] =	sbarrier.arrive $0xFFFF  }
0x3a: {  	p0 =	sne.s32 s0, $0x0;
	_ =	strace $0x90000047  }
0x3b: {  	s0 =	sadd.s32 @!p0 $0x100000, s2;
	[bflag:$0x2] =	sbarrier.arrive $0xFFFF  }
0x3c: {  	[sflag:s0] =	ssyncadd.tile.s32 @!p0 $0x1;
	_ =	shalt  }
.Lfunc_end2:
_tile_overlayer_lowered:
.L_overlay_start_2:
0x3d: {  	(tag) =	ssettag $0x2  }
0x3e: {  	s0 =	rddreg [dreg:$0x0];
	s2 =	stileid.u32  }
0x3f: {  	s1 =	rddreg [dreg:$0x1];
	p0 =	sne.s32 s2, $0x0  }
0x40: {  	s3 =	rddreg [dreg:$0x2];
	[bflag:$0x3] =	sbarrier.arrive $0xFFFF;
	s2 =	simm.s32 @!p0 $0x1C02  }
0x41: {  	[timem:s3], [sflag:s2] =	dma.local @!p0 [hbm:s0], s1  }
0x42: {  	s0 =	simm.s32 @!p0 $0x2  }
0x43: {  	_ =	swait.ge @!p0 [sflag:s0], s1  }
0x44: {  	s1 =	ssub.s32 @!p0 $0x0, s1;
	[sflag:s0] =	ssyncset.done @!p0 $0x0  }
0x45: {  	[sflag:s0] =	ssyncadd.s32 @!p0 s1  }
0x46: {  	[bflag:$0x3] =	sbarrier.arrive $0xFFFF  }
0x47: {  	_ =	shalt  }

</sc_bundles>
